<compile_context>
chip_gen: v7x
topology: tpu7x:2x2x1
jax: 0.10.2.dev20260603
libtpu: 0.0.44.dev20260713+nightly
codegen_flags: <defaults>
</compile_context>

<pallas_src>
import functools

import jax
import jax.numpy as jnp
from jax import lax
from jax.experimental import pallas as pl
from jax.experimental.pallas import tpu as pltpu
from jax.experimental.pallas import tpu_sc as plsc


def _sc_mesh_info():
    info = plsc.get_sparse_core_info()
    mesh = plsc.VectorSubcoreMesh(core_axis_name="c", subcore_axis_name="s")
    return info, mesh, info.num_cores * info.num_subcores


def _sc_gather_spans(csv_flat, idx_flat, bp, d):
    info, mesh, nw = _sc_mesh_info()
    pw = bp // nw

    @functools.partial(
        pl.kernel,
        out_type=jax.ShapeDtypeStruct((bp, d), jnp.float32),
        mesh=mesh,
        scratch_types=[
            pltpu.VMEM((pw,), jnp.int32),
            pltpu.VMEM((pw, d), jnp.float32),
            pltpu.SemaphoreType.DMA,
        ],
    )
    def k(csv_hbm, idx_hbm, span_out, idx_v, rows_v, sem):
        wid = lax.axis_index("s") * info.num_cores + lax.axis_index("c")
        base = wid * pw
        pltpu.sync_copy(idx_hbm.at[pl.ds(base, pw)], idx_v)
        pltpu.async_copy(csv_hbm.at[idx_v], rows_v, sem).wait()
        pltpu.sync_copy(rows_v, span_out.at[pl.ds(base, pw)])

    return k(csv_flat, idx_flat)


def _sc_gather_entities(cand1d, lens1d, idx_flat, epos, table, bp, c, e):
    info, mesh, nw = _sc_mesh_info()
    pw = bp // nw
    cw = pw * c
    ech = cw // 128

    @functools.partial(
        pl.kernel,
        out_type=(
            jax.ShapeDtypeStruct((bp * c, e), jnp.float32),
            jax.ShapeDtypeStruct((bp,), jnp.int32),
        ),
        mesh=mesh,
        scratch_types=[
            pltpu.VMEM((pw,), jnp.int32),
            pltpu.VMEM((cw,), jnp.int32),
            pltpu.VMEM((cw,), jnp.int32),
            pltpu.VMEM((pw,), jnp.int32),
            pltpu.VMEM((cw, e), jnp.float32),
            pltpu.SemaphoreType.DMA,
        ],
    )
    def k(cand_hbm, lens_hbm, idx_hbm, epos_hbm, tab_hbm,
          cand_out, lens_out,
          idx_v, epos_v, cidx_v, lens_v, ent_v, sem):
        wid = lax.axis_index("s") * info.num_cores + lax.axis_index("c")
        base = wid * pw
        pltpu.sync_copy(idx_hbm.at[pl.ds(base, pw)], idx_v)
        pltpu.sync_copy(epos_hbm.at[pl.ds(base * c, cw)], epos_v)
        cps = [pltpu.async_copy(lens_hbm.at[idx_v], lens_v, sem)]
        for j in range(ech):
            cps.append(pltpu.async_copy(
                cand_hbm.at[epos_v.at[pl.ds(j * 128, 128)]],
                cidx_v.at[pl.ds(j * 128, 128)], sem))
        for cp in cps:
            cp.wait()
        ecps = [
            pltpu.async_copy(tab_hbm.at[cidx_v.at[pl.ds(j * 128, 128)]],
                             ent_v.at[pl.ds(j * 128, 128)], sem)
            for j in range(ech)
        ]
        for cp in ecps:
            cp.wait()
        pltpu.sync_copy(ent_v, cand_out.at[pl.ds(base * c, cw)])
        pltpu.sync_copy(lens_v, lens_out.at[pl.ds(base, pw)])

    return k(cand1d, lens1d, idx_flat, epos, table)


def _tc_pairwise(span_g, ss3, sb3, W_link_m, W_pair_l, W_pair_r, ws2,
                 dist_emb, b_sz, p, d, h):
    tp = 16

    def body(span_ref, ss_ref, sb_ref, wlm_ref, wpl_ref, wpr_ref, ws_ref,
             de_ref, mproj_ref, coref_ref):
        spans = span_ref[...]
        mproj_ref[0] = jnp.dot(spans, wlm_ref[...],
                               preferred_element_type=jnp.float32)
        ml = jnp.dot(spans, wpl_ref[...],
                     preferred_element_type=jnp.float32)
        mr = jnp.dot(spans, wpr_ref[...],
                     preferred_element_type=jnp.float32)

        ws = ws_ref[0]
        tiles = []
        for t in range(p // tp):
            mlt = ml[t * tp:(t + 1) * tp]
            x = jnp.maximum(mlt[:, None, :] + mr[None, :, :], 0.0)
            tiles.append(jnp.sum(x * ws[None, None, :], axis=-1))
        coref = jnp.concatenate(tiles, axis=0)

        sb = sb_ref[0, 0, :]
        d1 = jnp.abs(sb[:, None] - sb[None, :]) + 1
        bias = jnp.full((p, p), de_ref[0], jnp.float32)
        for k2 in range(1, 10):
            bias = bias + jnp.where(d1 >= (1 << k2),
                                    de_ref[k2] - de_ref[k2 - 1], 0.0)

        ss = ss_ref[0, 0, :]
        coref = coref + bias + ss[:, None] + ss[None, :]
        rr = lax.broadcasted_iota(jnp.int32, (p, p), 0)
        qq = lax.broadcasted_iota(jnp.int32, (p, p), 1)
        coref_ref[0] = jnp.where(rr == qq, 0.0, coref)

    return pl.pallas_call(
        body,
        grid=(b_sz,),
        in_specs=[
            pl.BlockSpec((p, d), lambda b: (b, 0)),
            pl.BlockSpec((1, 1, p), lambda b: (b, 0, 0)),
            pl.BlockSpec((1, 1, p), lambda b: (b, 0, 0)),
            pl.BlockSpec((d, h), lambda b: (0, 0)),
            pl.BlockSpec((d, h), lambda b: (0, 0)),
            pl.BlockSpec((d, h), lambda b: (0, 0)),
            pl.BlockSpec((1, h), lambda b: (0, 0)),
            pl.BlockSpec(memory_space=pltpu.SMEM),
        ],
        out_specs=[
            pl.BlockSpec((1, p, h), lambda b: (b, 0, 0)),
            pl.BlockSpec((1, p, p), lambda b: (b, 0, 0)),
        ],
        out_shape=[
            jax.ShapeDtypeStruct((b_sz, p, h), jnp.float32),
            jax.ShapeDtypeStruct((b_sz, p, p), jnp.float32),
        ],
    )(span_g, ss3, sb3, W_link_m, W_pair_l, W_pair_r, ws2, dist_emb)


def _tc_link_assemble(cand_vecs, m_proj, corefs, lens3, ss3, W_link_e, wl2,
                      b_sz, p, c, e, h):
    n_out = 1 + c + p

    def body(cand_ref, mproj_ref, coref_ref, lens_ref, ss_ref, wle_ref,
             wl_ref, out_ref):
        e_proj = jnp.dot(cand_ref[...], wle_ref[...],
                         preferred_element_type=jnp.float32)
        wl = wl_ref[0]
        m_proj = mproj_ref[0]
        link3 = jnp.maximum(m_proj[:, None, :] + e_proj.reshape(p, c, h), 0.0)
        link = jnp.sum(link3 * wl[None, None, :], axis=-1)
        lens = lens_ref[0, 0, :]
        cc = lax.broadcasted_iota(jnp.int32, (p, c), 1)
        ss = ss_ref[0, 0, :]
        link = jnp.where(cc < lens[:, None], link, 0.0) + ss[:, None]
        root = ss[:, None]
        out_ref[0] = jnp.concatenate([root, link, coref_ref[0]], axis=1)

    return pl.pallas_call(
        body,
        grid=(b_sz,),
        in_specs=[
            pl.BlockSpec((p * c, e), lambda b: (b, 0)),
            pl.BlockSpec((1, p, h), lambda b: (b, 0, 0)),
            pl.BlockSpec((1, p, p), lambda b: (b, 0, 0)),
            pl.BlockSpec((1, 1, p), lambda b: (b, 0, 0)),
            pl.BlockSpec((1, 1, p), lambda b: (b, 0, 0)),
            pl.BlockSpec((e, h), lambda b: (0, 0)),
            pl.BlockSpec((1, h), lambda b: (0, 0)),
        ],
        out_specs=pl.BlockSpec((1, p, n_out), lambda b: (b, 0, 0)),
        out_shape=jax.ShapeDtypeStruct((b_sz, p, n_out), jnp.float32),
    )(cand_vecs, m_proj, corefs, lens3, ss3, W_link_e, wl2)


def kernel(cand_span_vecs, prune_indices_hoi, candidates, candidate_lengths,
           span_scores, span_begin, span_end, entity_table, W_link_m, W_link_e,
           w_link, W_pair_l, W_pair_r, w_score, dist_emb):
    b_sz, na, d = cand_span_vecs.shape
    p = prune_indices_hoi.shape[1]
    c = candidates.shape[-1]
    v, e = entity_table.shape
    h = W_link_m.shape[1]

    idx = prune_indices_hoi.astype(jnp.int32)
    idx_flat = (idx + jnp.arange(b_sz, dtype=jnp.int32)[:, None] * na).reshape(-1)
    epos = (idx_flat[:, None] * c + jnp.arange(c, dtype=jnp.int32)[None, :]).reshape(-1)
    csv_flat = cand_span_vecs.reshape(b_sz * na, d)
    cand1d = candidates.astype(jnp.int32).reshape(-1)
    lens1d = candidate_lengths.astype(jnp.int32).reshape(-1)

    span_g = _sc_gather_spans(csv_flat, idx_flat, b_sz * p, d)
    cand_vecs, lens = _sc_gather_entities(
        cand1d, lens1d, idx_flat, epos, entity_table, b_sz * p, c, e)

    ss3 = span_scores.reshape(b_sz, 1, p)
    sb3 = span_begin.astype(jnp.int32).reshape(b_sz, 1, p)
    wl2 = w_link.reshape(1, h)
    ws2 = w_score.reshape(1, h)

    m_proj, corefs = _tc_pairwise(span_g, ss3, sb3, W_link_m, W_pair_l,
                                  W_pair_r, ws2, dist_emb, b_sz, p, d, h)
    lens3 = lens.reshape(b_sz, 1, p)
    return _tc_link_assemble(cand_vecs, m_proj, corefs, lens3, ss3, W_link_e,
                             wl2, b_sz, p, c, e, h)

# --- scband reference (transcript-rebuilt; emitter-appended) ---
"""Pipeline reference for scband-module-coref-linker-mttprop-e2-ehoi-16131897163790 (READ-ONLY COPY).

The authoritative reference and input builder live on the scoring server;
editing this copy changes nothing except your own understanding.
"""

import jax, jax.numpy as jnp
import numpy as np

B, NA, P, C, D, E, H, V = 4, 2048, 256, 16, 1024, 128, 128, 100000

def _gather(values, indices):
    # batched_index_select: values [B, N, ...], indices [B, P] -> [B, P, ...]
    return jax.vmap(lambda v, i: jnp.take(v, i, axis=0))(values, indices)

def setup_inputs(seed: int = 0):
    key = jax.random.key(seed)
    ks = jax.random.split(key, 16)
    inp = {}
    inp["cand_span_vecs"] = jax.random.normal(ks[0], (B, NA, D), jnp.float32)
    inp["prune_indices_hoi"] = jax.random.randint(ks[1], (B, P), 0, NA)
    inp["candidates"] = jax.random.randint(ks[2], (B, NA, C), 0, V)
    cl = jax.random.randint(ks[3], (B, NA), 1, C + 1)
    inp["candidate_lengths"] = cl.at[0, 0].set(C)  # guarantee max_cand_length == C
    inp["span_scores"] = jax.random.normal(ks[4], (B, P), jnp.float32)
    inp["span_begin"] = jnp.sort(jax.random.randint(ks[5], (B, P), 0, 4096), axis=-1)
    inp["span_end"] = inp["span_begin"] + jax.random.randint(ks[6], (B, P), 1, 10)
    # learned parameters
    inp["entity_table"] = jax.random.normal(ks[7], (V, E), jnp.float32) * 0.02
    inp["W_link_m"] = jax.random.normal(ks[8], (D, H), jnp.float32) * 0.02
    inp["W_link_e"] = jax.random.normal(ks[9], (E, H), jnp.float32) * 0.02
    inp["w_link"] = jax.random.normal(ks[10], (H,), jnp.float32) * 0.1
    inp["W_pair_l"] = jax.random.normal(ks[11], (D, H), jnp.float32) * 0.02
    inp["W_pair_r"] = jax.random.normal(ks[12], (D, H), jnp.float32) * 0.02
    inp["w_score"] = jax.random.normal(ks[13], (H,), jnp.float32) * 0.1
    inp["dist_emb"] = jax.random.normal(ks[14], (10,), jnp.float32) * 0.1
    return inp

def reference(cand_span_vecs, prune_indices_hoi, candidates, candidate_lengths, span_scores, span_begin, span_end, entity_table, W_link_m, W_link_e, w_link, W_pair_l, W_pair_r, w_score, dist_emb):
    # batched_index_select of candidates / span vectors / candidate lengths by pruned indices
    linker_candidates = _gather(candidates, prune_indices_hoi)          # [B, P, C]
    span_embs = _gather(cand_span_vecs, prune_indices_hoi)              # [B, P, D] (filter_spans)
    cand_lens = _gather(candidate_lengths, prune_indices_hoi)           # [B, P]
    max_cand = candidates.shape[-1]
    linker_candidates = linker_candidates[:, :, :max_cand]
    # entity embedding lookup (TextFieldEmbedderTokens)
    cand_vecs = jnp.take(entity_table, linker_candidates, axis=0)       # [B, P, mc, E]
    # OptFFpairsCorefLinkerMTTBaseHoi: mention-entity link scores
    m_proj = jnp.einsum('bpd,dh->bph', span_embs, W_link_m)
    e_proj = jnp.einsum('bpce,eh->bpch', cand_vecs, W_link_e)
    link_scores = jnp.einsum('bpch,h->bpc', jax.nn.relu(m_proj[:, :, None, :] + e_proj), w_link)
    mask = jnp.arange(max_cand)[None, None, :] < cand_lens[:, :, None]
    link_scores = jnp.where(mask, link_scores, 0.0)
    # mention-mention coref scores (pairwise FF) + distance-bucket bias from span_begin
    ml = jnp.einsum('bpd,dh->bph', span_embs, W_pair_l)
    mr = jnp.einsum('bpd,dh->bph', span_embs, W_pair_r)
    coref = jnp.einsum('bpqh,h->bpq', jax.nn.relu(ml[:, :, None, :] + mr[:, None, :, :]), w_score)
    dist = jnp.abs(span_begin[:, :, None] - span_begin[:, None, :]).astype(jnp.float32)
    buckets = jnp.minimum(jnp.floor(jnp.log2(dist + 1.0)), 9.0).astype(jnp.int32)
    coref = coref + jnp.take(dist_emb, buckets)
    nP = span_embs.shape[1]
    root = jnp.zeros((span_embs.shape[0], nP, 1), jnp.float32)
    scores = jnp.concatenate([root, link_scores, coref], axis=-1)       # [B, P, 1 + mc + P]
    # coref_add_scores_coreflinker (add_pruner_to_root=True path)
    scores = scores + span_scores[:, :, None]
    scores = scores.at[:, :, -nP:].add(span_scores[:, None, :])
    eye = jnp.eye(nP, dtype=scores.dtype)[None]
    scores = scores.at[:, :, -nP:].multiply(1.0 - eye)
    return scores

if __name__ == "__main__":
    import jax
    _d = setup_inputs()
    print(jax.jit(kernel)(*tuple(_d.values())))

</pallas_src>

<mosaic_0001>
#map = affine_map<(d0, d1) -> (0)>
#map1 = affine_map<(d0, d1) -> (0, 0)>
module attributes {stable_mosaic.version = 14 : i64} {
  func.func @k(%arg0: i32, %arg1: i32, %arg2: memref<131072xi32, #tpu.memory_space<hbm>>, %arg3: memref<8192xi32, #tpu.memory_space<hbm>>, %arg4: memref<1024xi32, #tpu.memory_space<hbm>>, %arg5: memref<16384xi32, #tpu.memory_space<hbm>>, %arg6: memref<100000x128xf32, #tpu.memory_space<hbm>>, %arg7: memref<16384x128xf32, #tpu.memory_space<hbm>>, %arg8: memref<1024xi32, #tpu.memory_space<hbm>>, %arg9: memref<32xi32, #tpu.memory_space<vmem>>, %arg10: memref<512xi32, #tpu.memory_space<vmem>>, %arg11: memref<512xi32, #tpu.memory_space<vmem>>, %arg12: memref<32xi32, #tpu.memory_space<vmem>>, %arg13: memref<512x128xf32, #tpu.memory_space<vmem>>, %arg14: memref<!tpu.dma_semaphore, #tpu.memory_space<semaphore_mem>>) attributes {dimension_semantics = [#tpu.dimension_semantics<core_parallel>, #tpu.dimension_semantics<subcore_parallel>], iteration_bounds = array<i64: 2, 16>, scalar_prefetch = 0 : i64, scratch_operands = 6 : i64, tpu.core_type = #tpu.core_type<sc_vector_subcore>, window_params = [{transform_indices = #map}, {transform_indices = #map}, {transform_indices = #map}, {transform_indices = #map}, {transform_indices = #map1}, {transform_indices = #map1}, {transform_indices = #map}]} {
    %mul3A = arith.constant 2 : i32
    %mul3A_0 = arith.muli %arg1, %mul3A : i32
    %add3A = arith.addi %mul3A_0, %arg0 : i32
    %mul3A_1 = arith.constant 32 : i32
    %mul3A_2 = arith.muli %add3A, %mul3A_1 : i32
    "tpu.region"() ({
      %run_scoped3A = tpu.sem_alloc : memref<!tpu.dma_semaphore, #tpu.memory_space<semaphore_mem>>
      %dma_start3A_121 = tpu.memref_slice %arg4[%mul3A_2] : memref<1024xi32, #tpu.memory_space<hbm>> -> memref<32xi32, #tpu.memory_space<hbm>>
      %dma_start3A_122 = tpu.memref_slice %arg4[%mul3A_2] : memref<1024xi32, #tpu.memory_space<hbm>> -> memref<32xi32, #tpu.memory_space<hbm>>
      tpu.enqueue_dma source(%dma_start3A_122 : memref<32xi32, #tpu.memory_space<hbm>>) target(%arg9 : memref<32xi32, #tpu.memory_space<vmem>>) target_semaphore(%run_scoped3A : memref<!tpu.dma_semaphore, #tpu.memory_space<semaphore_mem>>)
      %dma_wait3A_123 = tpu.memref_slice %arg4[%mul3A_2] : memref<1024xi32, #tpu.memory_space<hbm>> -> memref<32xi32, #tpu.memory_space<hbm>>
      %dma_wait3A_124 = tpu.memref_slice %arg4[%mul3A_2] : memref<1024xi32, #tpu.memory_space<hbm>> -> memref<32xi32, #tpu.memory_space<hbm>>
      tpu.wait_dma2 semaphore(%run_scoped3A : memref<!tpu.dma_semaphore, #tpu.memory_space<semaphore_mem>>) src(%dma_wait3A_124 : memref<32xi32, #tpu.memory_space<hbm>>) dst(%arg9 : memref<32xi32, #tpu.memory_space<vmem>>)
      tpu.yield
    }) : () -> ()
    %mul3A_3 = arith.constant 16 : i32
    %mul3A_4 = arith.muli %mul3A_2, %mul3A_3 : i32
    "tpu.region"() ({
      %run_scoped3A = tpu.sem_alloc : memref<!tpu.dma_semaphore, #tpu.memory_space<semaphore_mem>>
      %dma_start3A_121 = tpu.memref_slice %arg5[%mul3A_4] : memref<16384xi32, #tpu.memory_space<hbm>> -> memref<512xi32, #tpu.memory_space<hbm>>
      %dma_start3A_122 = tpu.memref_slice %arg5[%mul3A_4] : memref<16384xi32, #tpu.memory_space<hbm>> -> memref<512xi32, #tpu.memory_space<hbm>>
      tpu.enqueue_dma source(%dma_start3A_122 : memref<512xi32, #tpu.memory_space<hbm>>) target(%arg10 : memref<512xi32, #tpu.memory_space<vmem>>) target_semaphore(%run_scoped3A : memref<!tpu.dma_semaphore, #tpu.memory_space<semaphore_mem>>)
      %dma_wait3A_123 = tpu.memref_slice %arg5[%mul3A_4] : memref<16384xi32, #tpu.memory_space<hbm>> -> memref<512xi32, #tpu.memory_space<hbm>>
      %dma_wait3A_124 = tpu.memref_slice %arg5[%mul3A_4] : memref<16384xi32, #tpu.memory_space<hbm>> -> memref<512xi32, #tpu.memory_space<hbm>>
      tpu.wait_dma2 semaphore(%run_scoped3A : memref<!tpu.dma_semaphore, #tpu.memory_space<semaphore_mem>>) src(%dma_wait3A_124 : memref<512xi32, #tpu.memory_space<hbm>>) dst(%arg10 : memref<512xi32, #tpu.memory_space<vmem>>)
      tpu.yield
    }) : () -> ()
    %dma_start3A = arith.constant 0 : i32
    %dma_start3A_5 = tpu.memref_slice %arg3[%dma_start3A] : memref<8192xi32, #tpu.memory_space<hbm>> -> memref<8192xi32, #tpu.memory_space<hbm>>
    tpu.enqueue_indirect_dma source(%dma_start3A_5 : memref<8192xi32, #tpu.memory_space<hbm>>) target(%arg12 : memref<32xi32, #tpu.memory_space<vmem>>) offsets(%arg9 : memref<32xi32, #tpu.memory_space<vmem>>) semaphore(%arg14 : memref<!tpu.dma_semaphore, #tpu.memory_space<semaphore_mem>>)
    %dma_start3A_6 = arith.constant 0 : i32
    %dma_start3A_7 = tpu.memref_slice %arg11[%dma_start3A_6] : memref<512xi32, #tpu.memory_space<vmem>> -> memref<128xi32, #tpu.memory_space<vmem>>
    %dma_start3A_8 = arith.constant 0 : i32
    %dma_start3A_9 = tpu.memref_slice %arg10[%dma_start3A_8] : memref<512xi32, #tpu.memory_space<vmem>> -> memref<128xi32, #tpu.memory_space<vmem>>
    %dma_start3A_10 = arith.constant 0 : i32
    %dma_start3A_11 = tpu.memref_slice %arg2[%dma_start3A_10] : memref<131072xi32, #tpu.memory_space<hbm>> -> memref<131072xi32, #tpu.memory_space<hbm>>
    tpu.enqueue_indirect_dma source(%dma_start3A_11 : memref<131072xi32, #tpu.memory_space<hbm>>) target(%dma_start3A_7 : memref<128xi32, #tpu.memory_space<vmem>>) offsets(%dma_start3A_9 : memref<128xi32, #tpu.memory_space<vmem>>) semaphore(%arg14 : memref<!tpu.dma_semaphore, #tpu.memory_space<semaphore_mem>>)
    %dma_start3A_12 = arith.constant 128 : i32
    %dma_start3A_13 = tpu.memref_slice %arg11[%dma_start3A_12] : memref<512xi32, #tpu.memory_space<vmem>> -> memref<128xi32, #tpu.memory_space<vmem>>
    %dma_start3A_14 = arith.constant 128 : i32
    %dma_start3A_15 = tpu.memref_slice %arg10[%dma_start3A_14] : memref<512xi32, #tpu.memory_space<vmem>> -> memref<128xi32, #tpu.memory_space<vmem>>
    %dma_start3A_16 = arith.constant 0 : i32
    %dma_start3A_17 = tpu.memref_slice %arg2[%dma_start3A_16] : memref<131072xi32, #tpu.memory_space<hbm>> -> memref<131072xi32, #tpu.memory_space<hbm>>
    tpu.enqueue_indirect_dma source(%dma_start3A_17 : memref<131072xi32, #tpu.memory_space<hbm>>) target(%dma_start3A_13 : memref<128xi32, #tpu.memory_space<vmem>>) offsets(%dma_start3A_15 : memref<128xi32, #tpu.memory_space<vmem>>) semaphore(%arg14 : memref<!tpu.dma_semaphore, #tpu.memory_space<semaphore_mem>>)
    %dma_start3A_18 = arith.constant 256 : i32
    %dma_start3A_19 = tpu.memref_slice %arg11[%dma_start3A_18] : memref<512xi32, #tpu.memory_space<vmem>> -> memref<128xi32, #tpu.memory_space<vmem>>
    %dma_start3A_20 = arith.constant 256 : i32
    %dma_start3A_21 = tpu.memref_slice %arg10[%dma_start3A_20] : memref<512xi32, #tpu.memory_space<vmem>> -> memref<128xi32, #tpu.memory_space<vmem>>
    %dma_start3A_22 = arith.constant 0 : i32
    %dma_start3A_23 = tpu.memref_slice %arg2[%dma_start3A_22] : memref<131072xi32, #tpu.memory_space<hbm>> -> memref<131072xi32, #tpu.memory_space<hbm>>
    tpu.enqueue_indirect_dma source(%dma_start3A_23 : memref<131072xi32, #tpu.memory_space<hbm>>) target(%dma_start3A_19 : memref<128xi32, #tpu.memory_space<vmem>>) offsets(%dma_start3A_21 : memref<128xi32, #tpu.memory_space<vmem>>) semaphore(%arg14 : memref<!tpu.dma_semaphore, #tpu.memory_space<semaphore_mem>>)
    %dma_start3A_24 = arith.constant 384 : i32
    %dma_start3A_25 = tpu.memref_slice %arg11[%dma_start3A_24] : memref<512xi32, #tpu.memory_space<vmem>> -> memref<128xi32, #tpu.memory_space<vmem>>
    %dma_start3A_26 = arith.constant 384 : i32
    %dma_start3A_27 = tpu.memref_slice %arg10[%dma_start3A_26] : memref<512xi32, #tpu.memory_space<vmem>> -> memref<128xi32, #tpu.memory_space<vmem>>
    %dma_start3A_28 = arith.constant 0 : i32
    %dma_start3A_29 = tpu.memref_slice %arg2[%dma_start3A_28] : memref<131072xi32, #tpu.memory_space<hbm>> -> memref<131072xi32, #tpu.memory_space<hbm>>
    tpu.enqueue_indirect_dma source(%dma_start3A_29 : memref<131072xi32, #tpu.memory_space<hbm>>) target(%dma_start3A_25 : memref<128xi32, #tpu.memory_space<vmem>>) offsets(%dma_start3A_27 : memref<128xi32, #tpu.memory_space<vmem>>) semaphore(%arg14 : memref<!tpu.dma_semaphore, #tpu.memory_space<semaphore_mem>>)
    %dma_wait3A = arith.constant 0 : i32
    %dma_wait3A_30 = tpu.memref_slice %arg3[%dma_wait3A] : memref<8192xi32, #tpu.memory_space<hbm>> -> memref<8192xi32, #tpu.memory_space<hbm>>
    tpu.wait_indirect_dma semaphore(%arg14 : memref<!tpu.dma_semaphore, #tpu.memory_space<semaphore_mem>>) src(%dma_wait3A_30 : memref<8192xi32, #tpu.memory_space<hbm>>) dst(%arg12 : memref<32xi32, #tpu.memory_space<vmem>>)
    %dma_wait3A_31 = arith.constant 0 : i32
    %dma_wait3A_32 = tpu.memref_slice %arg11[%dma_wait3A_31] : memref<512xi32, #tpu.memory_space<vmem>> -> memref<128xi32, #tpu.memory_space<vmem>>
    %dma_wait3A_33 = arith.constant 0 : i32
    %dma_wait3A_34 = tpu.memref_slice %arg10[%dma_wait3A_33] : memref<512xi32, #tpu.memory_space<vmem>> -> memref<128xi32, #tpu.memory_space<vmem>>
    %dma_wait3A_35 = arith.constant 0 : i32
    %dma_wait3A_36 = tpu.memref_slice %arg2[%dma_wait3A_35] : memref<131072xi32, #tpu.memory_space<hbm>> -> memref<131072xi32, #tpu.memory_space<hbm>>
    tpu.wait_indirect_dma semaphore(%arg14 : memref<!tpu.dma_semaphore, #tpu.memory_space<semaphore_mem>>) src(%dma_wait3A_36 : memref<131072xi32, #tpu.memory_space<hbm>>) dst(%dma_wait3A_32 : memref<128xi32, #tpu.memory_space<vmem>>)
    %dma_wait3A_37 = arith.constant 128 : i32
    %dma_wait3A_38 = tpu.memref_slice %arg11[%dma_wait3A_37] : memref<512xi32, #tpu.memory_space<vmem>> -> memref<128xi32, #tpu.memory_space<vmem>>
    %dma_wait3A_39 = arith.constant 128 : i32
    %dma_wait3A_40 = tpu.memref_slice %arg10[%dma_wait3A_39] : memref<512xi32, #tpu.memory_space<vmem>> -> memref<128xi32, #tpu.memory_space<vmem>>
    %dma_wait3A_41 = arith.constant 0 : i32
    %dma_wait3A_42 = tpu.memref_slice %arg2[%dma_wait3A_41] : memref<131072xi32, #tpu.memory_space<hbm>> -> memref<131072xi32, #tpu.memory_space<hbm>>
    tpu.wait_indirect_dma semaphore(%arg14 : memref<!tpu.dma_semaphore, #tpu.memory_space<semaphore_mem>>) src(%dma_wait3A_42 : memref<131072xi32, #tpu.memory_space<hbm>>) dst(%dma_wait3A_38 : memref<128xi32, #tpu.memory_space<vmem>>)
    %dma_wait3A_43 = arith.constant 256 : i32
    %dma_wait3A_44 = tpu.memref_slice %arg11[%dma_wait3A_43] : memref<512xi32, #tpu.memory_space<vmem>> -> memref<128xi32, #tpu.memory_space<vmem>>
    %dma_wait3A_45 = arith.constant 256 : i32
    %dma_wait3A_46 = tpu.memref_slice %arg10[%dma_wait3A_45] : memref<512xi32, #tpu.memory_space<vmem>> -> memref<128xi32, #tpu.memory_space<vmem>>
    %dma_wait3A_47 = arith.constant 0 : i32
    %dma_wait3A_48 = tpu.memref_slice %arg2[%dma_wait3A_47] : memref<131072xi32, #tpu.memory_space<hbm>> -> memref<131072xi32, #tpu.memory_space<hbm>>
    tpu.wait_indirect_dma semaphore(%arg14 : memref<!tpu.dma_semaphore, #tpu.memory_space<semaphore_mem>>) src(%dma_wait3A_48 : memref<131072xi32, #tpu.memory_space<hbm>>) dst(%dma_wait3A_44 : memref<128xi32, #tpu.memory_space<vmem>>)
    %dma_wait3A_49 = arith.constant 384 : i32
    %dma_wait3A_50 = tpu.memref_slice %arg11[%dma_wait3A_49] : memref<512xi32, #tpu.memory_space<vmem>> -> memref<128xi32, #tpu.memory_space<vmem>>
    %dma_wait3A_51 = arith.constant 384 : i32
    %dma_wait3A_52 = tpu.memref_slice %arg10[%dma_wait3A_51] : memref<512xi32, #tpu.memory_space<vmem>> -> memref<128xi32, #tpu.memory_space<vmem>>
    %dma_wait3A_53 = arith.constant 0 : i32
    %dma_wait3A_54 = tpu.memref_slice %arg2[%dma_wait3A_53] : memref<131072xi32, #tpu.memory_space<hbm>> -> memref<131072xi32, #tpu.memory_space<hbm>>
    tpu.wait_indirect_dma semaphore(%arg14 : memref<!tpu.dma_semaphore, #tpu.memory_space<semaphore_mem>>) src(%dma_wait3A_54 : memref<131072xi32, #tpu.memory_space<hbm>>) dst(%dma_wait3A_50 : memref<128xi32, #tpu.memory_space<vmem>>)
    %dma_start3A_55 = arith.constant 0 : i32
    %dma_start3A_56 = arith.constant 0 : i32
    %dma_start3A_57 = tpu.memref_slice %arg13[%dma_start3A_55, %dma_start3A_56] : memref<512x128xf32, #tpu.memory_space<vmem>> -> memref<128x128xf32, #tpu.memory_space<vmem>>
    %dma_start3A_58 = arith.constant 0 : i32
    %dma_start3A_59 = tpu.memref_slice %arg11[%dma_start3A_58] : memref<512xi32, #tpu.memory_space<vmem>> -> memref<128xi32, #tpu.memory_space<vmem>>
    %dma_start3A_60 = arith.constant 0 : i32
    %dma_start3A_61 = arith.constant 0 : i32
    %dma_start3A_62 = tpu.memref_slice %arg6[%dma_start3A_60, %dma_start3A_61] : memref<100000x128xf32, #tpu.memory_space<hbm>> -> memref<100000x128xf32, #tpu.memory_space<hbm>>
    tpu.enqueue_indirect_dma source(%dma_start3A_62 : memref<100000x128xf32, #tpu.memory_space<hbm>>) target(%dma_start3A_57 : memref<128x128xf32, #tpu.memory_space<vmem>>) offsets(%dma_start3A_59 : memref<128xi32, #tpu.memory_space<vmem>>) semaphore(%arg14 : memref<!tpu.dma_semaphore, #tpu.memory_space<semaphore_mem>>)
    %dma_start3A_63 = arith.constant 128 : i32
    %dma_start3A_64 = arith.constant 0 : i32
    %dma_start3A_65 = tpu.memref_slice %arg13[%dma_start3A_63, %dma_start3A_64] : memref<512x128xf32, #tpu.memory_space<vmem>> -> memref<128x128xf32, #tpu.memory_space<vmem>>
    %dma_start3A_66 = arith.constant 128 : i32
    %dma_start3A_67 = tpu.memref_slice %arg11[%dma_start3A_66] : memref<512xi32, #tpu.memory_space<vmem>> -> memref<128xi32, #tpu.memory_space<vmem>>
    %dma_start3A_68 = arith.constant 0 : i32
    %dma_start3A_69 = arith.constant 0 : i32
    %dma_start3A_70 = tpu.memref_slice %arg6[%dma_start3A_68, %dma_start3A_69] : memref<100000x128xf32, #tpu.memory_space<hbm>> -> memref<100000x128xf32, #tpu.memory_space<hbm>>
    tpu.enqueue_indirect_dma source(%dma_start3A_70 : memref<100000x128xf32, #tpu.memory_space<hbm>>) target(%dma_start3A_65 : memref<128x128xf32, #tpu.memory_space<vmem>>) offsets(%dma_start3A_67 : memref<128xi32, #tpu.memory_space<vmem>>) semaphore(%arg14 : memref<!tpu.dma_semaphore, #tpu.memory_space<semaphore_mem>>)
    %dma_start3A_71 = arith.constant 256 : i32
    %dma_start3A_72 = arith.constant 0 : i32
    %dma_start3A_73 = tpu.memref_slice %arg13[%dma_start3A_71, %dma_start3A_72] : memref<512x128xf32, #tpu.memory_space<vmem>> -> memref<128x128xf32, #tpu.memory_space<vmem>>
    %dma_start3A_74 = arith.constant 256 : i32
    %dma_start3A_75 = tpu.memref_slice %arg11[%dma_start3A_74] : memref<512xi32, #tpu.memory_space<vmem>> -> memref<128xi32, #tpu.memory_space<vmem>>
    %dma_start3A_76 = arith.constant 0 : i32
    %dma_start3A_77 = arith.constant 0 : i32
    %dma_start3A_78 = tpu.memref_slice %arg6[%dma_start3A_76, %dma_start3A_77] : memref<100000x128xf32, #tpu.memory_space<hbm>> -> memref<100000x128xf32, #tpu.memory_space<hbm>>
    tpu.enqueue_indirect_dma source(%dma_start3A_78 : memref<100000x128xf32, #tpu.memory_space<hbm>>) target(%dma_start3A_73 : memref<128x128xf32, #tpu.memory_space<vmem>>) offsets(%dma_start3A_75 : memref<128xi32, #tpu.memory_space<vmem>>) semaphore(%arg14 : memref<!tpu.dma_semaphore, #tpu.memory_space<semaphore_mem>>)
    %dma_start3A_79 = arith.constant 384 : i32
    %dma_start3A_80 = arith.constant 0 : i32
    %dma_start3A_81 = tpu.memref_slice %arg13[%dma_start3A_79, %dma_start3A_80] : memref<512x128xf32, #tpu.memory_space<vmem>> -> memref<128x128xf32, #tpu.memory_space<vmem>>
    %dma_start3A_82 = arith.constant 384 : i32
    %dma_start3A_83 = tpu.memref_slice %arg11[%dma_start3A_82] : memref<512xi32, #tpu.memory_space<vmem>> -> memref<128xi32, #tpu.memory_space<vmem>>
    %dma_start3A_84 = arith.constant 0 : i32
    %dma_start3A_85 = arith.constant 0 : i32
    %dma_start3A_86 = tpu.memref_slice %arg6[%dma_start3A_84, %dma_start3A_85] : memref<100000x128xf32, #tpu.memory_space<hbm>> -> memref<100000x128xf32, #tpu.memory_space<hbm>>
    tpu.enqueue_indirect_dma source(%dma_start3A_86 : memref<100000x128xf32, #tpu.memory_space<hbm>>) target(%dma_start3A_81 : memref<128x128xf32, #tpu.memory_space<vmem>>) offsets(%dma_start3A_83 : memref<128xi32, #tpu.memory_space<vmem>>) semaphore(%arg14 : memref<!tpu.dma_semaphore, #tpu.memory_space<semaphore_mem>>)
    %dma_wait3A_87 = arith.constant 0 : i32
    %dma_wait3A_88 = arith.constant 0 : i32
    %dma_wait3A_89 = tpu.memref_slice %arg13[%dma_wait3A_87, %dma_wait3A_88] : memref<512x128xf32, #tpu.memory_space<vmem>> -> memref<128x128xf32, #tpu.memory_space<vmem>>
    %dma_wait3A_90 = arith.constant 0 : i32
    %dma_wait3A_91 = tpu.memref_slice %arg11[%dma_wait3A_90] : memref<512xi32, #tpu.memory_space<vmem>> -> memref<128xi32, #tpu.memory_space<vmem>>
    %dma_wait3A_92 = arith.constant 0 : i32
    %dma_wait3A_93 = arith.constant 0 : i32
    %dma_wait3A_94 = tpu.memref_slice %arg6[%dma_wait3A_92, %dma_wait3A_93] : memref<100000x128xf32, #tpu.memory_space<hbm>> -> memref<100000x128xf32, #tpu.memory_space<hbm>>
    tpu.wait_indirect_dma semaphore(%arg14 : memref<!tpu.dma_semaphore, #tpu.memory_space<semaphore_mem>>) src(%dma_wait3A_94 : memref<100000x128xf32, #tpu.memory_space<hbm>>) dst(%dma_wait3A_89 : memref<128x128xf32, #tpu.memory_space<vmem>>)
    %dma_wait3A_95 = arith.constant 128 : i32
    %dma_wait3A_96 = arith.constant 0 : i32
    %dma_wait3A_97 = tpu.memref_slice %arg13[%dma_wait3A_95, %dma_wait3A_96] : memref<512x128xf32, #tpu.memory_space<vmem>> -> memref<128x128xf32, #tpu.memory_space<vmem>>
    %dma_wait3A_98 = arith.constant 128 : i32
    %dma_wait3A_99 = tpu.memref_slice %arg11[%dma_wait3A_98] : memref<512xi32, #tpu.memory_space<vmem>> -> memref<128xi32, #tpu.memory_space<vmem>>
    %dma_wait3A_100 = arith.constant 0 : i32
    %dma_wait3A_101 = arith.constant 0 : i32
    %dma_wait3A_102 = tpu.memref_slice %arg6[%dma_wait3A_100, %dma_wait3A_101] : memref<100000x128xf32, #tpu.memory_space<hbm>> -> memref<100000x128xf32, #tpu.memory_space<hbm>>
    tpu.wait_indirect_dma semaphore(%arg14 : memref<!tpu.dma_semaphore, #tpu.memory_space<semaphore_mem>>) src(%dma_wait3A_102 : memref<100000x128xf32, #tpu.memory_space<hbm>>) dst(%dma_wait3A_97 : memref<128x128xf32, #tpu.memory_space<vmem>>)
    %dma_wait3A_103 = arith.constant 256 : i32
    %dma_wait3A_104 = arith.constant 0 : i32
    %dma_wait3A_105 = tpu.memref_slice %arg13[%dma_wait3A_103, %dma_wait3A_104] : memref<512x128xf32, #tpu.memory_space<vmem>> -> memref<128x128xf32, #tpu.memory_space<vmem>>
    %dma_wait3A_106 = arith.constant 256 : i32
    %dma_wait3A_107 = tpu.memref_slice %arg11[%dma_wait3A_106] : memref<512xi32, #tpu.memory_space<vmem>> -> memref<128xi32, #tpu.memory_space<vmem>>
    %dma_wait3A_108 = arith.constant 0 : i32
    %dma_wait3A_109 = arith.constant 0 : i32
    %dma_wait3A_110 = tpu.memref_slice %arg6[%dma_wait3A_108, %dma_wait3A_109] : memref<100000x128xf32, #tpu.memory_space<hbm>> -> memref<100000x128xf32, #tpu.memory_space<hbm>>
    tpu.wait_indirect_dma semaphore(%arg14 : memref<!tpu.dma_semaphore, #tpu.memory_space<semaphore_mem>>) src(%dma_wait3A_110 : memref<100000x128xf32, #tpu.memory_space<hbm>>) dst(%dma_wait3A_105 : memref<128x128xf32, #tpu.memory_space<vmem>>)
    %dma_wait3A_111 = arith.constant 384 : i32
    %dma_wait3A_112 = arith.constant 0 : i32
    %dma_wait3A_113 = tpu.memref_slice %arg13[%dma_wait3A_111, %dma_wait3A_112] : memref<512x128xf32, #tpu.memory_space<vmem>> -> memref<128x128xf32, #tpu.memory_space<vmem>>
    %dma_wait3A_114 = arith.constant 384 : i32
    %dma_wait3A_115 = tpu.memref_slice %arg11[%dma_wait3A_114] : memref<512xi32, #tpu.memory_space<vmem>> -> memref<128xi32, #tpu.memory_space<vmem>>
    %dma_wait3A_116 = arith.constant 0 : i32
    %dma_wait3A_117 = arith.constant 0 : i32
    %dma_wait3A_118 = tpu.memref_slice %arg6[%dma_wait3A_116, %dma_wait3A_117] : memref<100000x128xf32, #tpu.memory_space<hbm>> -> memref<100000x128xf32, #tpu.memory_space<hbm>>
    tpu.wait_indirect_dma semaphore(%arg14 : memref<!tpu.dma_semaphore, #tpu.memory_space<semaphore_mem>>) src(%dma_wait3A_118 : memref<100000x128xf32, #tpu.memory_space<hbm>>) dst(%dma_wait3A_113 : memref<128x128xf32, #tpu.memory_space<vmem>>)
    %mul3A_119 = arith.constant 16 : i32
    %mul3A_120 = arith.muli %mul3A_2, %mul3A_119 : i32
    "tpu.region"() ({
      %run_scoped3A = tpu.sem_alloc : memref<!tpu.dma_semaphore, #tpu.memory_space<semaphore_mem>>
      %dma_start3A_121 = arith.constant 0 : i32
      %dma_start3A_122 = tpu.memref_slice %arg7[%mul3A_120, %dma_start3A_121] : memref<16384x128xf32, #tpu.memory_space<hbm>> -> memref<512x128xf32, #tpu.memory_space<hbm>>
      %dma_start3A_123 = arith.constant 0 : i32
      %dma_start3A_124 = tpu.memref_slice %arg7[%mul3A_120, %dma_start3A_123] : memref<16384x128xf32, #tpu.memory_space<hbm>> -> memref<512x128xf32, #tpu.memory_space<hbm>>
      tpu.enqueue_dma source(%arg13 : memref<512x128xf32, #tpu.memory_space<vmem>>) target(%dma_start3A_124 : memref<512x128xf32, #tpu.memory_space<hbm>>) target_semaphore(%run_scoped3A : memref<!tpu.dma_semaphore, #tpu.memory_space<semaphore_mem>>)
      %dma_wait3A_125 = arith.constant 0 : i32
      %dma_wait3A_126 = tpu.memref_slice %arg7[%mul3A_120, %dma_wait3A_125] : memref<16384x128xf32, #tpu.memory_space<hbm>> -> memref<512x128xf32, #tpu.memory_space<hbm>>
      %dma_wait3A_127 = arith.constant 0 : i32
      %dma_wait3A_128 = tpu.memref_slice %arg7[%mul3A_120, %dma_wait3A_127] : memref<16384x128xf32, #tpu.memory_space<hbm>> -> memref<512x128xf32, #tpu.memory_space<hbm>>
      tpu.wait_dma2 semaphore(%run_scoped3A : memref<!tpu.dma_semaphore, #tpu.memory_space<semaphore_mem>>) src(%arg13 : memref<512x128xf32, #tpu.memory_space<vmem>>) dst(%dma_wait3A_128 : memref<512x128xf32, #tpu.memory_space<hbm>>)
      tpu.yield
    }) : () -> ()
    "tpu.region"() ({
      %run_scoped3A = tpu.sem_alloc : memref<!tpu.dma_semaphore, #tpu.memory_space<semaphore_mem>>
      %dma_start3A_121 = tpu.memref_slice %arg8[%mul3A_2] : memref<1024xi32, #tpu.memory_space<hbm>> -> memref<32xi32, #tpu.memory_space<hbm>>
      %dma_start3A_122 = tpu.memref_slice %arg8[%mul3A_2] : memref<1024xi32, #tpu.memory_space<hbm>> -> memref<32xi32, #tpu.memory_space<hbm>>
      tpu.enqueue_dma source(%arg12 : memref<32xi32, #tpu.memory_space<vmem>>) target(%dma_start3A_122 : memref<32xi32, #tpu.memory_space<hbm>>) target_semaphore(%run_scoped3A : memref<!tpu.dma_semaphore, #tpu.memory_space<semaphore_mem>>)
      %dma_wait3A_123 = tpu.memref_slice %arg8[%mul3A_2] : memref<1024xi32, #tpu.memory_space<hbm>> -> memref<32xi32, #tpu.memory_space<hbm>>
      %dma_wait3A_124 = tpu.memref_slice %arg8[%mul3A_2] : memref<1024xi32, #tpu.memory_space<hbm>> -> memref<32xi32, #tpu.memory_space<hbm>>
      tpu.wait_dma2 semaphore(%run_scoped3A : memref<!tpu.dma_semaphore, #tpu.memory_space<semaphore_mem>>) src(%arg12 : memref<32xi32, #tpu.memory_space<vmem>>) dst(%dma_wait3A_124 : memref<32xi32, #tpu.memory_space<hbm>>)
      tpu.yield
    }) : () -> ()
    return
  }
}

#map = affine_map<(d0, d1) -> (0, 0)>
#map1 = affine_map<(d0, d1) -> (0)>
module attributes {stable_mosaic.version = 14 : i64} {
  func.func @k(%arg0: i32, %arg1: i32, %arg2: memref<8192x1024xf32, #tpu.memory_space<hbm>>, %arg3: memref<1024xi32, #tpu.memory_space<hbm>>, %arg4: memref<1024x1024xf32, #tpu.memory_space<hbm>>, %arg5: memref<32xi32, #tpu.memory_space<vmem>>, %arg6: memref<32x1024xf32, #tpu.memory_space<vmem>>, %arg7: memref<!tpu.dma_semaphore, #tpu.memory_space<semaphore_mem>>) attributes {dimension_semantics = [#tpu.dimension_semantics<core_parallel>, #tpu.dimension_semantics<subcore_parallel>], iteration_bounds = array<i64: 2, 16>, scalar_prefetch = 0 : i64, scratch_operands = 3 : i64, tpu.core_type = #tpu.core_type<sc_vector_subcore>, window_params = [{transform_indices = #map}, {transform_indices = #map1}, {transform_indices = #map}]} {
    %mul3A = arith.constant 2 : i32
    %mul3A_0 = arith.muli %arg1, %mul3A : i32
    %add3A = arith.addi %mul3A_0, %arg0 : i32
    %mul3A_1 = arith.constant 32 : i32
    %mul3A_2 = arith.muli %add3A, %mul3A_1 : i32
    "tpu.region"() ({
      %run_scoped3A = tpu.sem_alloc : memref<!tpu.dma_semaphore, #tpu.memory_space<semaphore_mem>>
      %dma_start3A_7 = tpu.memref_slice %arg3[%mul3A_2] : memref<1024xi32, #tpu.memory_space<hbm>> -> memref<32xi32, #tpu.memory_space<hbm>>
      %dma_start3A_8 = tpu.memref_slice %arg3[%mul3A_2] : memref<1024xi32, #tpu.memory_space<hbm>> -> memref<32xi32, #tpu.memory_space<hbm>>
      tpu.enqueue_dma source(%dma_start3A_8 : memref<32xi32, #tpu.memory_space<hbm>>) target(%arg5 : memref<32xi32, #tpu.memory_space<vmem>>) target_semaphore(%run_scoped3A : memref<!tpu.dma_semaphore, #tpu.memory_space<semaphore_mem>>)
      %dma_wait3A_9 = tpu.memref_slice %arg3[%mul3A_2] : memref<1024xi32, #tpu.memory_space<hbm>> -> memref<32xi32, #tpu.memory_space<hbm>>
      %dma_wait3A_10 = tpu.memref_slice %arg3[%mul3A_2] : memref<1024xi32, #tpu.memory_space<hbm>> -> memref<32xi32, #tpu.memory_space<hbm>>
      tpu.wait_dma2 semaphore(%run_scoped3A : memref<!tpu.dma_semaphore, #tpu.memory_space<semaphore_mem>>) src(%dma_wait3A_10 : memref<32xi32, #tpu.memory_space<hbm>>) dst(%arg5 : memref<32xi32, #tpu.memory_space<vmem>>)
      tpu.yield
    }) : () -> ()
    %dma_start3A = arith.constant 0 : i32
    %dma_start3A_3 = arith.constant 0 : i32
    %dma_start3A_4 = tpu.memref_slice %arg2[%dma_start3A, %dma_start3A_3] : memref<8192x1024xf32, #tpu.memory_space<hbm>> -> memref<8192x1024xf32, #tpu.memory_space<hbm>>
    tpu.enqueue_indirect_dma source(%dma_start3A_4 : memref<8192x1024xf32, #tpu.memory_space<hbm>>) target(%arg6 : memref<32x1024xf32, #tpu.memory_space<vmem>>) offsets(%arg5 : memref<32xi32, #tpu.memory_space<vmem>>) semaphore(%arg7 : memref<!tpu.dma_semaphore, #tpu.memory_space<semaphore_mem>>)
    %dma_wait3A = arith.constant 0 : i32
    %dma_wait3A_5 = arith.constant 0 : i32
    %dma_wait3A_6 = tpu.memref_slice %arg2[%dma_wait3A, %dma_wait3A_5] : memref<8192x1024xf32, #tpu.memory_space<hbm>> -> memref<8192x1024xf32, #tpu.memory_space<hbm>>
    tpu.wait_indirect_dma semaphore(%arg7 : memref<!tpu.dma_semaphore, #tpu.memory_space<semaphore_mem>>) src(%dma_wait3A_6 : memref<8192x1024xf32, #tpu.memory_space<hbm>>) dst(%arg6 : memref<32x1024xf32, #tpu.memory_space<vmem>>)
    "tpu.region"() ({
      %run_scoped3A = tpu.sem_alloc : memref<!tpu.dma_semaphore, #tpu.memory_space<semaphore_mem>>
      %dma_start3A_7 = arith.constant 0 : i32
      %dma_start3A_8 = tpu.memref_slice %arg4[%mul3A_2, %dma_start3A_7] : memref<1024x1024xf32, #tpu.memory_space<hbm>> -> memref<32x1024xf32, #tpu.memory_space<hbm>>
      %dma_start3A_9 = arith.constant 0 : i32
      %dma_start3A_10 = tpu.memref_slice %arg4[%mul3A_2, %dma_start3A_9] : memref<1024x1024xf32, #tpu.memory_space<hbm>> -> memref<32x1024xf32, #tpu.memory_space<hbm>>
      tpu.enqueue_dma source(%arg6 : memref<32x1024xf32, #tpu.memory_space<vmem>>) target(%dma_start3A_10 : memref<32x1024xf32, #tpu.memory_space<hbm>>) target_semaphore(%run_scoped3A : memref<!tpu.dma_semaphore, #tpu.memory_space<semaphore_mem>>)
      %dma_wait3A_11 = arith.constant 0 : i32
      %dma_wait3A_12 = tpu.memref_slice %arg4[%mul3A_2, %dma_wait3A_11] : memref<1024x1024xf32, #tpu.memory_space<hbm>> -> memref<32x1024xf32, #tpu.memory_space<hbm>>
      %dma_wait3A_13 = arith.constant 0 : i32
      %dma_wait3A_14 = tpu.memref_slice %arg4[%mul3A_2, %dma_wait3A_13] : memref<1024x1024xf32, #tpu.memory_space<hbm>> -> memref<32x1024xf32, #tpu.memory_space<hbm>>
      tpu.wait_dma2 semaphore(%run_scoped3A : memref<!tpu.dma_semaphore, #tpu.memory_space<semaphore_mem>>) src(%arg6 : memref<32x1024xf32, #tpu.memory_space<vmem>>) dst(%dma_wait3A_14 : memref<32x1024xf32, #tpu.memory_space<hbm>>)
      tpu.yield
    }) : () -> ()
    return
  }
}

module attributes {stable_mosaic.version = 14 : i64} {
  func.func @body(%arg0: i32, %arg1: memref<4096x128xf32, #tpu.memory_space<vmem>>, %arg2: memref<1x256x128xf32, #tpu.memory_space<vmem>>, %arg3: memref<1x256x256xf32, #tpu.memory_space<vmem>>, %arg4: memref<1x1x256xi32, #tpu.memory_space<vmem>>, %arg5: memref<1x1x256xf32, #tpu.memory_space<vmem>>, %arg6: memref<128x128xf32, #tpu.memory_space<vmem>>, %arg7: memref<1x128xf32, #tpu.memory_space<vmem>>, %arg8: memref<1x256x273xf32, #tpu.memory_space<vmem>>) attributes {dimension_semantics = [#tpu.dimension_semantics<arbitrary>], iteration_bounds = array<i64: 4>, scalar_prefetch = 0 : i64, scratch_operands = 0 : i64, tpu.core_type = #tpu.core_type<tc>, window_params = [{transform_indices = @transform_0, window_bounds = array<i64: 4096, 128>}, {transform_indices = @transform_1, window_bounds = array<i64: 1, 256, 128>}, {transform_indices = @transform_2, window_bounds = array<i64: 1, 256, 256>}, {transform_indices = @transform_3, window_bounds = array<i64: 1, 1, 256>}, {transform_indices = @transform_4, window_bounds = array<i64: 1, 1, 256>}, {pipeline_mode = #tpu.pipeline_mode<synchronous>, transform_indices = @transform_5, window_bounds = array<i64: 128, 128>}, {pipeline_mode = #tpu.pipeline_mode<synchronous>, transform_indices = @transform_6, window_bounds = array<i64: 1, 128>}, {transform_indices = @transform_7, window_bounds = array<i64: 1, 256, 273>}]} {
    %get3A = arith.constant 0 : index
    %get3A_0 = arith.constant 0 : index
    %get3A_1 = vector.load %arg1[%get3A, %get3A_0] : memref<4096x128xf32, #tpu.memory_space<vmem>>, vector<4096x128xf32>
    %get3A_2 = arith.constant 0 : index
    %get3A_3 = arith.constant 0 : index
    %get3A_4 = vector.load %arg6[%get3A_2, %get3A_3] : memref<128x128xf32, #tpu.memory_space<vmem>>, vector<128x128xf32>
    %dot_general3A = arith.constant dense<0.000000e+00> : vector<4096x128xf32>
    %dot_general3A_5 = tpu.matmul %get3A_1, %get3A_4, %dot_general3A {dimension_numbers = #tpu.dot_dimension_numbers<[1], [0], [0], [1], [0, 0, 1, 1], [], []>, transpose_lhs_hint = false} : vector<4096x128xf32>, vector<128x128xf32>, vector<4096x128xf32> -> vector<4096x128xf32>
    %get3A_6 = arith.constant 0 : index
    %get3A_7 = arith.constant 0 : index
    %get3A_8 = vector.load %arg7[%get3A_6, %get3A_7] : memref<1x128xf32, #tpu.memory_space<vmem>>, vector<1x128xf32>
    %get3A_9 = vector.shape_cast %get3A_8 : vector<1x128xf32> to vector<128xf32>
    %get3A_10 = arith.constant 0 : index
    %get3A_11 = arith.constant 0 : index
    %get3A_12 = arith.constant 0 : index
    %get3A_13 = vector.load %arg2[%get3A_10, %get3A_11, %get3A_12] : memref<1x256x128xf32, #tpu.memory_space<vmem>>, vector<1x256x128xf32>
    %get3A_14 = vector.shape_cast %get3A_13 : vector<1x256x128xf32> to vector<256x128xf32>
    %broadcast_in_dim3A = vector.shape_cast %get3A_14 : vector<256x128xf32> to vector<256x1x128xf32>
    %reshape3A = vector.shape_cast %dot_general3A_5 : vector<4096x128xf32> to vector<256x16x128xf32>
    %add3A = vector.broadcast %broadcast_in_dim3A : vector<256x1x128xf32> to vector<256x16x128xf32>
    %add3A_15 = arith.addf %add3A, %reshape3A : vector<256x16x128xf32>
    %max3A = arith.constant 0.000000e+00 : f32
    %max3A_16 = vector.broadcast %max3A : f32 to vector<256x16x128xf32>
    %max3A_17 = arith.maximumf %add3A_15, %max3A_16 : vector<256x16x128xf32>
    %broadcast_in_dim3A_18 = vector.shape_cast %get3A_9 : vector<128xf32> to vector<1x1x128xf32>
    %mul3A = vector.broadcast %broadcast_in_dim3A_18 : vector<1x1x128xf32> to vector<256x16x128xf32>
    %mul3A_19 = arith.mulf %max3A_17, %mul3A : vector<256x16x128xf32>
    %reduce_sum3A = arith.constant dense<0.000000e+00> : vector<256x16xf32>
    %reduce_sum3A_20 = vector.multi_reduction <add>, %mul3A_19, %reduce_sum3A [2] : vector<256x16x128xf32> to vector<256x16xf32>
    %get3A_21 = arith.constant 0 : index
    %get3A_22 = arith.constant 0 : index
    %get3A_23 = arith.constant 0 : index
    %get3A_24 = vector.load %arg4[%get3A_21, %get3A_22, %get3A_23] : memref<1x1x256xi32, #tpu.memory_space<vmem>>, vector<1x1x256xi32>
    %get3A_25 = vector.shape_cast %get3A_24 : vector<1x1x256xi32> to vector<256xi32>
    %iota3A = tpu.iota {dimensions = array<i32: 1>} : vector<256x16xi32>
    %get3A_26 = arith.constant 0 : index
    %get3A_27 = arith.constant 0 : index
    %get3A_28 = arith.constant 0 : index
    %get3A_29 = vector.load %arg5[%get3A_26, %get3A_27, %get3A_28] : memref<1x1x256xf32, #tpu.memory_space<vmem>>, vector<1x1x256xf32>
    %get3A_30 = vector.shape_cast %get3A_29 : vector<1x1x256xf32> to vector<256xf32>
    %broadcast_in_dim3A_31 = vector.shape_cast %get3A_25 : vector<256xi32> to vector<256x1xi32>
    %lt3A = vector.broadcast %broadcast_in_dim3A_31 : vector<256x1xi32> to vector<256x16xi32>
    %lt3A_32 = arith.cmpi slt, %iota3A, %lt3A : vector<256x16xi32>
    %jit3A = arith.constant 0.000000e+00 : f32
    %broadcast_in_dim3A_33 = vector.broadcast %jit3A : f32 to vector<256x16xf32>
    %select_n3A = arith.select %lt3A_32, %reduce_sum3A_20, %broadcast_in_dim3A_33 : vector<256x16xi1>, vector<256x16xf32>
    %broadcast_in_dim3A_34 = vector.shape_cast %get3A_30 : vector<256xf32> to vector<256x1xf32>
    %add3A_35 = vector.broadcast %broadcast_in_dim3A_34 : vector<256x1xf32> to vector<256x16xf32>
    %add3A_36 = arith.addf %select_n3A, %add3A_35 : vector<256x16xf32>
    %broadcast_in_dim3A_37 = vector.shape_cast %get3A_30 : vector<256xf32> to vector<256x1xf32>
    %get3A_38 = arith.constant 0 : index
    %get3A_39 = arith.constant 0 : index
    %get3A_40 = arith.constant 0 : index
    %get3A_41 = vector.load %arg3[%get3A_38, %get3A_39, %get3A_40] : memref<1x256x256xf32, #tpu.memory_space<vmem>>, vector<1x256x256xf32>
    %get3A_42 = vector.shape_cast %get3A_41 : vector<1x256x256xf32> to vector<256x256xf32>
    %concatenate3A = tpu.concatenate %broadcast_in_dim3A_37, %add3A_36, %get3A_42 in 1 : vector<256x1xf32>, vector<256x16xf32>, vector<256x256xf32> -> vector<256x273xf32>
    %swap3A = arith.constant 0 : index
    %swap3A_43 = arith.constant 0 : index
    %swap3A_44 = arith.constant 0 : index
    %swap3A_45 = vector.load %arg8[%swap3A, %swap3A_43, %swap3A_44] : memref<1x256x273xf32, #tpu.memory_space<vmem>>, vector<1x256x273xf32>
    %swap3A_46 = vector.shape_cast %swap3A_45 : vector<1x256x273xf32> to vector<256x273xf32>
    %swap3A_47 = vector.shape_cast %concatenate3A : vector<256x273xf32> to vector<1x256x273xf32>
    tpu.vector_store %arg8[%swap3A, %swap3A_43, %swap3A_44], %swap3A_47 {strides = array<i32>} : memref<1x256x273xf32, #tpu.memory_space<vmem>>, vector<1x256x273xf32>,
    return
  }
  func.func @transform_0(%arg0: i32) -> (i32, i32) {
    %c0_i32 = arith.constant 0 : i32
    %c0_i32_0 = arith.constant 0 : i32
    return %arg0, %c0_i32 : i32, i32
  }
  func.func @transform_1(%arg0: i32) -> (i32, i32, i32) {
    %c0_i32 = arith.constant 0 : i32
    %c0_i32_0 = arith.constant 0 : i32
    %c0_i32_1 = arith.constant 0 : i32
    return %arg0, %c0_i32, %c0_i32_0 : i32, i32, i32
  }
  func.func @transform_2(%arg0: i32) -> (i32, i32, i32) {
    %c0_i32 = arith.constant 0 : i32
    %c0_i32_0 = arith.constant 0 : i32
    %c0_i32_1 = arith.constant 0 : i32
    return %arg0, %c0_i32, %c0_i32_0 : i32, i32, i32
  }
  func.func @transform_3(%arg0: i32) -> (i32, i32, i32) {
    %c0_i32 = arith.constant 0 : i32
    %c0_i32_0 = arith.constant 0 : i32
    %c0_i32_1 = arith.constant 0 : i32
    return %arg0, %c0_i32, %c0_i32_0 : i32, i32, i32
  }
  func.func @transform_4(%arg0: i32) -> (i32, i32, i32) {
    %c0_i32 = arith.constant 0 : i32
    %c0_i32_0 = arith.constant 0 : i32
    %c0_i32_1 = arith.constant 0 : i32
    return %arg0, %c0_i32, %c0_i32_0 : i32, i32, i32
  }
  func.func @transform_5(%arg0: i32) -> (i32, i32) {
    %c0_i32 = arith.constant 0 : i32
    %c0_i32_0 = arith.constant 0 : i32
    %c0_i32_1 = arith.constant 0 : i32
    return %c0_i32, %c0_i32_0 : i32, i32
  }
  func.func @transform_6(%arg0: i32) -> (i32, i32) {
    %c0_i32 = arith.constant 0 : i32
    %c0_i32_0 = arith.constant 0 : i32
    %c0_i32_1 = arith.constant 0 : i32
    return %c0_i32, %c0_i32_0 : i32, i32
  }
  func.func @transform_7(%arg0: i32) -> (i32, i32, i32) {
    %c0_i32 = arith.constant 0 : i32
    %c0_i32_0 = arith.constant 0 : i32
    %c0_i32_1 = arith.constant 0 : i32
    return %arg0, %c0_i32, %c0_i32_0 : i32, i32, i32
  }
}

module attributes {stable_mosaic.version = 14 : i64} {
  func.func @body(%arg0: i32, %arg1: memref<256x1024xf32, #tpu.memory_space<vmem>>, %arg2: memref<1x1x256xf32, #tpu.memory_space<vmem>>, %arg3: memref<1x1x256xi32, #tpu.memory_space<vmem>>, %arg4: memref<1024x128xf32, #tpu.memory_space<vmem>>, %arg5: memref<1024x128xf32, #tpu.memory_space<vmem>>, %arg6: memref<1024x128xf32, #tpu.memory_space<vmem>>, %arg7: memref<1x128xf32, #tpu.memory_space<vmem>>, %arg8: memref<10xf32, #tpu.memory_space<smem>>, %arg9: memref<1x256x128xf32, #tpu.memory_space<vmem>>, %arg10: memref<1x256x256xf32, #tpu.memory_space<vmem>>) attributes {dimension_semantics = [#tpu.dimension_semantics<arbitrary>], iteration_bounds = array<i64: 4>, scalar_prefetch = 0 : i64, scratch_operands = 0 : i64, tpu.core_type = #tpu.core_type<tc>, window_params = [{transform_indices = @transform_0, window_bounds = array<i64: 256, 1024>}, {transform_indices = @transform_1, window_bounds = array<i64: 1, 1, 256>}, {transform_indices = @transform_2, window_bounds = array<i64: 1, 1, 256>}, {pipeline_mode = #tpu.pipeline_mode<synchronous>, transform_indices = @transform_3, window_bounds = array<i64: 1024, 128>}, {pipeline_mode = #tpu.pipeline_mode<synchronous>, transform_indices = @transform_4, window_bounds = array<i64: 1024, 128>}, {pipeline_mode = #tpu.pipeline_mode<synchronous>, transform_indices = @transform_5, window_bounds = array<i64: 1024, 128>}, {pipeline_mode = #tpu.pipeline_mode<synchronous>, transform_indices = @transform_6, window_bounds = array<i64: 1, 128>}, {transform_indices = @transform_7, window_bounds = array<i64: 10>}, {transform_indices = @transform_8, window_bounds = array<i64: 1, 256, 128>}, {transform_indices = @transform_9, window_bounds = array<i64: 1, 256, 256>}]} {
    %get3A = arith.constant 0 : index
    %get3A_0 = arith.constant 0 : index
    %get3A_1 = vector.load %arg1[%get3A, %get3A_0] : memref<256x1024xf32, #tpu.memory_space<vmem>>, vector<256x1024xf32>
    %get3A_2 = arith.constant 0 : index
    %get3A_3 = arith.constant 0 : index
    %get3A_4 = vector.load %arg4[%get3A_2, %get3A_3] : memref<1024x128xf32, #tpu.memory_space<vmem>>, vector<1024x128xf32>
    %dot_general3A = arith.constant dense<0.000000e+00> : vector<256x128xf32>
    %dot_general3A_5 = tpu.matmul %get3A_1, %get3A_4, %dot_general3A {dimension_numbers = #tpu.dot_dimension_numbers<[1], [0], [0], [1], [0, 0, 1, 1], [], []>, transpose_lhs_hint = false} : vector<256x1024xf32>, vector<1024x128xf32>, vector<256x128xf32> -> vector<256x128xf32>
    %swap3A = arith.constant 0 : index
    %swap3A_6 = arith.constant 0 : index
    %swap3A_7 = arith.constant 0 : index
    %swap3A_8 = vector.load %arg9[%swap3A, %swap3A_6, %swap3A_7] : memref<1x256x128xf32, #tpu.memory_space<vmem>>, vector<1x256x128xf32>
    %swap3A_9 = vector.shape_cast %swap3A_8 : vector<1x256x128xf32> to vector<256x128xf32>
    %swap3A_10 = vector.shape_cast %dot_general3A_5 : vector<256x128xf32> to vector<1x256x128xf32>
    tpu.vector_store %arg9[%swap3A, %swap3A_6, %swap3A_7], %swap3A_10 {strides = array<i32>} : memref<1x256x128xf32, #tpu.memory_space<vmem>>, vector<1x256x128xf32>,
    %get3A_11 = arith.constant 0 : index
    %get3A_12 = arith.constant 0 : index
    %get3A_13 = vector.load %arg5[%get3A_11, %get3A_12] : memref<1024x128xf32, #tpu.memory_space<vmem>>, vector<1024x128xf32>
    %dot_general3A_14 = arith.constant dense<0.000000e+00> : vector<256x128xf32>
    %dot_general3A_15 = tpu.matmul %get3A_1, %get3A_13, %dot_general3A_14 {dimension_numbers = #tpu.dot_dimension_numbers<[1], [0], [0], [1], [0, 0, 1, 1], [], []>, transpose_lhs_hint = false} : vector<256x1024xf32>, vector<1024x128xf32>, vector<256x128xf32> -> vector<256x128xf32>
    %get3A_16 = arith.constant 0 : index
    %get3A_17 = arith.constant 0 : index
    %get3A_18 = vector.load %arg6[%get3A_16, %get3A_17] : memref<1024x128xf32, #tpu.memory_space<vmem>>, vector<1024x128xf32>
    %dot_general3A_19 = arith.constant dense<0.000000e+00> : vector<256x128xf32>
    %dot_general3A_20 = tpu.matmul %get3A_1, %get3A_18, %dot_general3A_19 {dimension_numbers = #tpu.dot_dimension_numbers<[1], [0], [0], [1], [0, 0, 1, 1], [], []>, transpose_lhs_hint = false} : vector<256x1024xf32>, vector<1024x128xf32>, vector<256x128xf32> -> vector<256x128xf32>
    %get3A_21 = arith.constant 0 : index
    %get3A_22 = arith.constant 0 : index
    %get3A_23 = vector.load %arg7[%get3A_21, %get3A_22] : memref<1x128xf32, #tpu.memory_space<vmem>>, vector<1x128xf32>
    %get3A_24 = vector.shape_cast %get3A_23 : vector<1x128xf32> to vector<128xf32>
    %slice3A = vector.extract_strided_slice %dot_general3A_15 {offsets = [0, 0], sizes = [16, 128], strides = [1, 1]} : vector<256x128xf32> to vector<16x128xf32>
    %broadcast_in_dim3A = vector.shape_cast %slice3A : vector<16x128xf32> to vector<16x1x128xf32>
    %broadcast_in_dim3A_25 = vector.shape_cast %dot_general3A_20 : vector<256x128xf32> to vector<1x256x128xf32>
    %add3A = vector.broadcast %broadcast_in_dim3A : vector<16x1x128xf32> to vector<16x256x128xf32>
    %add3A_26 = vector.broadcast %broadcast_in_dim3A_25 : vector<1x256x128xf32> to vector<16x256x128xf32>
    %add3A_27 = arith.addf %add3A, %add3A_26 : vector<16x256x128xf32>
    %max3A = arith.constant 0.000000e+00 : f32
    %max3A_28 = vector.broadcast %max3A : f32 to vector<16x256x128xf32>
    %max3A_29 = arith.maximumf %add3A_27, %max3A_28 : vector<16x256x128xf32>
    %broadcast_in_dim3A_30 = vector.shape_cast %get3A_24 : vector<128xf32> to vector<1x1x128xf32>
    %mul3A = vector.broadcast %broadcast_in_dim3A_30 : vector<1x1x128xf32> to vector<16x256x128xf32>
    %mul3A_31 = arith.mulf %max3A_29, %mul3A : vector<16x256x128xf32>
    %reduce_sum3A = arith.constant dense<0.000000e+00> : vector<16x256xf32>
    %reduce_sum3A_32 = vector.multi_reduction <add>, %mul3A_31, %reduce_sum3A [2] : vector<16x256x128xf32> to vector<16x256xf32>
    %slice3A_33 = vector.extract_strided_slice %dot_general3A_15 {offsets = [16, 0], sizes = [16, 128], strides = [1, 1]} : vector<256x128xf32> to vector<16x128xf32>
    %broadcast_in_dim3A_34 = vector.shape_cast %slice3A_33 : vector<16x128xf32> to vector<16x1x128xf32>
    %broadcast_in_dim3A_35 = vector.shape_cast %dot_general3A_20 : vector<256x128xf32> to vector<1x256x128xf32>
    %add3A_36 = vector.broadcast %broadcast_in_dim3A_34 : vector<16x1x128xf32> to vector<16x256x128xf32>
    %add3A_37 = vector.broadcast %broadcast_in_dim3A_35 : vector<1x256x128xf32> to vector<16x256x128xf32>
    %add3A_38 = arith.addf %add3A_36, %add3A_37 : vector<16x256x128xf32>
    %max3A_39 = arith.constant 0.000000e+00 : f32
    %max3A_40 = vector.broadcast %max3A_39 : f32 to vector<16x256x128xf32>
    %max3A_41 = arith.maximumf %add3A_38, %max3A_40 : vector<16x256x128xf32>
    %broadcast_in_dim3A_42 = vector.shape_cast %get3A_24 : vector<128xf32> to vector<1x1x128xf32>
    %mul3A_43 = vector.broadcast %broadcast_in_dim3A_42 : vector<1x1x128xf32> to vector<16x256x128xf32>
    %mul3A_44 = arith.mulf %max3A_41, %mul3A_43 : vector<16x256x128xf32>
    %reduce_sum3A_45 = arith.constant dense<0.000000e+00> : vector<16x256xf32>
    %reduce_sum3A_46 = vector.multi_reduction <add>, %mul3A_44, %reduce_sum3A_45 [2] : vector<16x256x128xf32> to vector<16x256xf32>
    %slice3A_47 = vector.extract_strided_slice %dot_general3A_15 {offsets = [32, 0], sizes = [16, 128], strides = [1, 1]} : vector<256x128xf32> to vector<16x128xf32>
    %broadcast_in_dim3A_48 = vector.shape_cast %slice3A_47 : vector<16x128xf32> to vector<16x1x128xf32>
    %broadcast_in_dim3A_49 = vector.shape_cast %dot_general3A_20 : vector<256x128xf32> to vector<1x256x128xf32>
    %add3A_50 = vector.broadcast %broadcast_in_dim3A_48 : vector<16x1x128xf32> to vector<16x256x128xf32>
    %add3A_51 = vector.broadcast %broadcast_in_dim3A_49 : vector<1x256x128xf32> to vector<16x256x128xf32>
    %add3A_52 = arith.addf %add3A_50, %add3A_51 : vector<16x256x128xf32>
    %max3A_53 = arith.constant 0.000000e+00 : f32
    %max3A_54 = vector.broadcast %max3A_53 : f32 to vector<16x256x128xf32>
    %max3A_55 = arith.maximumf %add3A_52, %max3A_54 : vector<16x256x128xf32>
    %broadcast_in_dim3A_56 = vector.shape_cast %get3A_24 : vector<128xf32> to vector<1x1x128xf32>
    %mul3A_57 = vector.broadcast %broadcast_in_dim3A_56 : vector<1x1x128xf32> to vector<16x256x128xf32>
    %mul3A_58 = arith.mulf %max3A_55, %mul3A_57 : vector<16x256x128xf32>
    %reduce_sum3A_59 = arith.constant dense<0.000000e+00> : vector<16x256xf32>
    %reduce_sum3A_60 = vector.multi_reduction <add>, %mul3A_58, %reduce_sum3A_59 [2] : vector<16x256x128xf32> to vector<16x256xf32>
    %slice3A_61 = vector.extract_strided_slice %dot_general3A_15 {offsets = [48, 0], sizes = [16, 128], strides = [1, 1]} : vector<256x128xf32> to vector<16x128xf32>
    %broadcast_in_dim3A_62 = vector.shape_cast %slice3A_61 : vector<16x128xf32> to vector<16x1x128xf32>
    %broadcast_in_dim3A_63 = vector.shape_cast %dot_general3A_20 : vector<256x128xf32> to vector<1x256x128xf32>
    %add3A_64 = vector.broadcast %broadcast_in_dim3A_62 : vector<16x1x128xf32> to vector<16x256x128xf32>
    %add3A_65 = vector.broadcast %broadcast_in_dim3A_63 : vector<1x256x128xf32> to vector<16x256x128xf32>
    %add3A_66 = arith.addf %add3A_64, %add3A_65 : vector<16x256x128xf32>
    %max3A_67 = arith.constant 0.000000e+00 : f32
    %max3A_68 = vector.broadcast %max3A_67 : f32 to vector<16x256x128xf32>
    %max3A_69 = arith.maximumf %add3A_66, %max3A_68 : vector<16x256x128xf32>
    %broadcast_in_dim3A_70 = vector.shape_cast %get3A_24 : vector<128xf32> to vector<1x1x128xf32>
    %mul3A_71 = vector.broadcast %broadcast_in_dim3A_70 : vector<1x1x128xf32> to vector<16x256x128xf32>
    %mul3A_72 = arith.mulf %max3A_69, %mul3A_71 : vector<16x256x128xf32>
    %reduce_sum3A_73 = arith.constant dense<0.000000e+00> : vector<16x256xf32>
    %reduce_sum3A_74 = vector.multi_reduction <add>, %mul3A_72, %reduce_sum3A_73 [2] : vector<16x256x128xf32> to vector<16x256xf32>
    %slice3A_75 = vector.extract_strided_slice %dot_general3A_15 {offsets = [64, 0], sizes = [16, 128], strides = [1, 1]} : vector<256x128xf32> to vector<16x128xf32>
    %broadcast_in_dim3A_76 = vector.shape_cast %slice3A_75 : vector<16x128xf32> to vector<16x1x128xf32>
    %broadcast_in_dim3A_77 = vector.shape_cast %dot_general3A_20 : vector<256x128xf32> to vector<1x256x128xf32>
    %add3A_78 = vector.broadcast %broadcast_in_dim3A_76 : vector<16x1x128xf32> to vector<16x256x128xf32>
    %add3A_79 = vector.broadcast %broadcast_in_dim3A_77 : vector<1x256x128xf32> to vector<16x256x128xf32>
    %add3A_80 = arith.addf %add3A_78, %add3A_79 : vector<16x256x128xf32>
    %max3A_81 = arith.constant 0.000000e+00 : f32
    %max3A_82 = vector.broadcast %max3A_81 : f32 to vector<16x256x128xf32>
    %max3A_83 = arith.maximumf %add3A_80, %max3A_82 : vector<16x256x128xf32>
    %broadcast_in_dim3A_84 = vector.shape_cast %get3A_24 : vector<128xf32> to vector<1x1x128xf32>
    %mul3A_85 = vector.broadcast %broadcast_in_dim3A_84 : vector<1x1x128xf32> to vector<16x256x128xf32>
    %mul3A_86 = arith.mulf %max3A_83, %mul3A_85 : vector<16x256x128xf32>
    %reduce_sum3A_87 = arith.constant dense<0.000000e+00> : vector<16x256xf32>
    %reduce_sum3A_88 = vector.multi_reduction <add>, %mul3A_86, %reduce_sum3A_87 [2] : vector<16x256x128xf32> to vector<16x256xf32>
    %slice3A_89 = vector.extract_strided_slice %dot_general3A_15 {offsets = [80, 0], sizes = [16, 128], strides = [1, 1]} : vector<256x128xf32> to vector<16x128xf32>
    %broadcast_in_dim3A_90 = vector.shape_cast %slice3A_89 : vector<16x128xf32> to vector<16x1x128xf32>
    %broadcast_in_dim3A_91 = vector.shape_cast %dot_general3A_20 : vector<256x128xf32> to vector<1x256x128xf32>
    %add3A_92 = vector.broadcast %broadcast_in_dim3A_90 : vector<16x1x128xf32> to vector<16x256x128xf32>
    %add3A_93 = vector.broadcast %broadcast_in_dim3A_91 : vector<1x256x128xf32> to vector<16x256x128xf32>
    %add3A_94 = arith.addf %add3A_92, %add3A_93 : vector<16x256x128xf32>
    %max3A_95 = arith.constant 0.000000e+00 : f32
    %max3A_96 = vector.broadcast %max3A_95 : f32 to vector<16x256x128xf32>
    %max3A_97 = arith.maximumf %add3A_94, %max3A_96 : vector<16x256x128xf32>
    %broadcast_in_dim3A_98 = vector.shape_cast %get3A_24 : vector<128xf32> to vector<1x1x128xf32>
    %mul3A_99 = vector.broadcast %broadcast_in_dim3A_98 : vector<1x1x128xf32> to vector<16x256x128xf32>
    %mul3A_100 = arith.mulf %max3A_97, %mul3A_99 : vector<16x256x128xf32>
    %reduce_sum3A_101 = arith.constant dense<0.000000e+00> : vector<16x256xf32>
    %reduce_sum3A_102 = vector.multi_reduction <add>, %mul3A_100, %reduce_sum3A_101 [2] : vector<16x256x128xf32> to vector<16x256xf32>
    %slice3A_103 = vector.extract_strided_slice %dot_general3A_15 {offsets = [96, 0], sizes = [16, 128], strides = [1, 1]} : vector<256x128xf32> to vector<16x128xf32>
    %broadcast_in_dim3A_104 = vector.shape_cast %slice3A_103 : vector<16x128xf32> to vector<16x1x128xf32>
    %broadcast_in_dim3A_105 = vector.shape_cast %dot_general3A_20 : vector<256x128xf32> to vector<1x256x128xf32>
    %add3A_106 = vector.broadcast %broadcast_in_dim3A_104 : vector<16x1x128xf32> to vector<16x256x128xf32>
    %add3A_107 = vector.broadcast %broadcast_in_dim3A_105 : vector<1x256x128xf32> to vector<16x256x128xf32>
    %add3A_108 = arith.addf %add3A_106, %add3A_107 : vector<16x256x128xf32>
    %max3A_109 = arith.constant 0.000000e+00 : f32
    %max3A_110 = vector.broadcast %max3A_109 : f32 to vector<16x256x128xf32>
    %max3A_111 = arith.maximumf %add3A_108, %max3A_110 : vector<16x256x128xf32>
    %broadcast_in_dim3A_112 = vector.shape_cast %get3A_24 : vector<128xf32> to vector<1x1x128xf32>
    %mul3A_113 = vector.broadcast %broadcast_in_dim3A_112 : vector<1x1x128xf32> to vector<16x256x128xf32>
    %mul3A_114 = arith.mulf %max3A_111, %mul3A_113 : vector<16x256x128xf32>
    %reduce_sum3A_115 = arith.constant dense<0.000000e+00> : vector<16x256xf32>
    %reduce_sum3A_116 = vector.multi_reduction <add>, %mul3A_114, %reduce_sum3A_115 [2] : vector<16x256x128xf32> to vector<16x256xf32>
    %slice3A_117 = vector.extract_strided_slice %dot_general3A_15 {offsets = [112, 0], sizes = [16, 128], strides = [1, 1]} : vector<256x128xf32> to vector<16x128xf32>
    %broadcast_in_dim3A_118 = vector.shape_cast %slice3A_117 : vector<16x128xf32> to vector<16x1x128xf32>
    %broadcast_in_dim3A_119 = vector.shape_cast %dot_general3A_20 : vector<256x128xf32> to vector<1x256x128xf32>
    %add3A_120 = vector.broadcast %broadcast_in_dim3A_118 : vector<16x1x128xf32> to vector<16x256x128xf32>
    %add3A_121 = vector.broadcast %broadcast_in_dim3A_119 : vector<1x256x128xf32> to vector<16x256x128xf32>
    %add3A_122 = arith.addf %add3A_120, %add3A_121 : vector<16x256x128xf32>
    %max3A_123 = arith.constant 0.000000e+00 : f32
    %max3A_124 = vector.broadcast %max3A_123 : f32 to vector<16x256x128xf32>
    %max3A_125 = arith.maximumf %add3A_122, %max3A_124 : vector<16x256x128xf32>
    %broadcast_in_dim3A_126 = vector.shape_cast %get3A_24 : vector<128xf32> to vector<1x1x128xf32>
    %mul3A_127 = vector.broadcast %broadcast_in_dim3A_126 : vector<1x1x128xf32> to vector<16x256x128xf32>
    %mul3A_128 = arith.mulf %max3A_125, %mul3A_127 : vector<16x256x128xf32>
    %reduce_sum3A_129 = arith.constant dense<0.000000e+00> : vector<16x256xf32>
    %reduce_sum3A_130 = vector.multi_reduction <add>, %mul3A_128, %reduce_sum3A_129 [2] : vector<16x256x128xf32> to vector<16x256xf32>
    %slice3A_131 = vector.extract_strided_slice %dot_general3A_15 {offsets = [128, 0], sizes = [16, 128], strides = [1, 1]} : vector<256x128xf32> to vector<16x128xf32>
    %broadcast_in_dim3A_132 = vector.shape_cast %slice3A_131 : vector<16x128xf32> to vector<16x1x128xf32>
    %broadcast_in_dim3A_133 = vector.shape_cast %dot_general3A_20 : vector<256x128xf32> to vector<1x256x128xf32>
    %add3A_134 = vector.broadcast %broadcast_in_dim3A_132 : vector<16x1x128xf32> to vector<16x256x128xf32>
    %add3A_135 = vector.broadcast %broadcast_in_dim3A_133 : vector<1x256x128xf32> to vector<16x256x128xf32>
    %add3A_136 = arith.addf %add3A_134, %add3A_135 : vector<16x256x128xf32>
    %max3A_137 = arith.constant 0.000000e+00 : f32
    %max3A_138 = vector.broadcast %max3A_137 : f32 to vector<16x256x128xf32>
    %max3A_139 = arith.maximumf %add3A_136, %max3A_138 : vector<16x256x128xf32>
    %broadcast_in_dim3A_140 = vector.shape_cast %get3A_24 : vector<128xf32> to vector<1x1x128xf32>
    %mul3A_141 = vector.broadcast %broadcast_in_dim3A_140 : vector<1x1x128xf32> to vector<16x256x128xf32>
    %mul3A_142 = arith.mulf %max3A_139, %mul3A_141 : vector<16x256x128xf32>
    %reduce_sum3A_143 = arith.constant dense<0.000000e+00> : vector<16x256xf32>
    %reduce_sum3A_144 = vector.multi_reduction <add>, %mul3A_142, %reduce_sum3A_143 [2] : vector<16x256x128xf32> to vector<16x256xf32>
    %slice3A_145 = vector.extract_strided_slice %dot_general3A_15 {offsets = [144, 0], sizes = [16, 128], strides = [1, 1]} : vector<256x128xf32> to vector<16x128xf32>
    %broadcast_in_dim3A_146 = vector.shape_cast %slice3A_145 : vector<16x128xf32> to vector<16x1x128xf32>
    %broadcast_in_dim3A_147 = vector.shape_cast %dot_general3A_20 : vector<256x128xf32> to vector<1x256x128xf32>
    %add3A_148 = vector.broadcast %broadcast_in_dim3A_146 : vector<16x1x128xf32> to vector<16x256x128xf32>
    %add3A_149 = vector.broadcast %broadcast_in_dim3A_147 : vector<1x256x128xf32> to vector<16x256x128xf32>
    %add3A_150 = arith.addf %add3A_148, %add3A_149 : vector<16x256x128xf32>
    %max3A_151 = arith.constant 0.000000e+00 : f32
    %max3A_152 = vector.broadcast %max3A_151 : f32 to vector<16x256x128xf32>
    %max3A_153 = arith.maximumf %add3A_150, %max3A_152 : vector<16x256x128xf32>
    %broadcast_in_dim3A_154 = vector.shape_cast %get3A_24 : vector<128xf32> to vector<1x1x128xf32>
    %mul3A_155 = vector.broadcast %broadcast_in_dim3A_154 : vector<1x1x128xf32> to vector<16x256x128xf32>
    %mul3A_156 = arith.mulf %max3A_153, %mul3A_155 : vector<16x256x128xf32>
    %reduce_sum3A_157 = arith.constant dense<0.000000e+00> : vector<16x256xf32>
    %reduce_sum3A_158 = vector.multi_reduction <add>, %mul3A_156, %reduce_sum3A_157 [2] : vector<16x256x128xf32> to vector<16x256xf32>
    %slice3A_159 = vector.extract_strided_slice %dot_general3A_15 {offsets = [160, 0], sizes = [16, 128], strides = [1, 1]} : vector<256x128xf32> to vector<16x128xf32>
    %broadcast_in_dim3A_160 = vector.shape_cast %slice3A_159 : vector<16x128xf32> to vector<16x1x128xf32>
    %broadcast_in_dim3A_161 = vector.shape_cast %dot_general3A_20 : vector<256x128xf32> to vector<1x256x128xf32>
    %add3A_162 = vector.broadcast %broadcast_in_dim3A_160 : vector<16x1x128xf32> to vector<16x256x128xf32>
    %add3A_163 = vector.broadcast %broadcast_in_dim3A_161 : vector<1x256x128xf32> to vector<16x256x128xf32>
    %add3A_164 = arith.addf %add3A_162, %add3A_163 : vector<16x256x128xf32>
    %max3A_165 = arith.constant 0.000000e+00 : f32
    %max3A_166 = vector.broadcast %max3A_165 : f32 to vector<16x256x128xf32>
    %max3A_167 = arith.maximumf %add3A_164, %max3A_166 : vector<16x256x128xf32>
    %broadcast_in_dim3A_168 = vector.shape_cast %get3A_24 : vector<128xf32> to vector<1x1x128xf32>
    %mul3A_169 = vector.broadcast %broadcast_in_dim3A_168 : vector<1x1x128xf32> to vector<16x256x128xf32>
    %mul3A_170 = arith.mulf %max3A_167, %mul3A_169 : vector<16x256x128xf32>
    %reduce_sum3A_171 = arith.constant dense<0.000000e+00> : vector<16x256xf32>
    %reduce_sum3A_172 = vector.multi_reduction <add>, %mul3A_170, %reduce_sum3A_171 [2] : vector<16x256x128xf32> to vector<16x256xf32>
    %slice3A_173 = vector.extract_strided_slice %dot_general3A_15 {offsets = [176, 0], sizes = [16, 128], strides = [1, 1]} : vector<256x128xf32> to vector<16x128xf32>
    %broadcast_in_dim3A_174 = vector.shape_cast %slice3A_173 : vector<16x128xf32> to vector<16x1x128xf32>
    %broadcast_in_dim3A_175 = vector.shape_cast %dot_general3A_20 : vector<256x128xf32> to vector<1x256x128xf32>
    %add3A_176 = vector.broadcast %broadcast_in_dim3A_174 : vector<16x1x128xf32> to vector<16x256x128xf32>
    %add3A_177 = vector.broadcast %broadcast_in_dim3A_175 : vector<1x256x128xf32> to vector<16x256x128xf32>
    %add3A_178 = arith.addf %add3A_176, %add3A_177 : vector<16x256x128xf32>
    %max3A_179 = arith.constant 0.000000e+00 : f32
    %max3A_180 = vector.broadcast %max3A_179 : f32 to vector<16x256x128xf32>
    %max3A_181 = arith.maximumf %add3A_178, %max3A_180 : vector<16x256x128xf32>
    %broadcast_in_dim3A_182 = vector.shape_cast %get3A_24 : vector<128xf32> to vector<1x1x128xf32>
    %mul3A_183 = vector.broadcast %broadcast_in_dim3A_182 : vector<1x1x128xf32> to vector<16x256x128xf32>
    %mul3A_184 = arith.mulf %max3A_181, %mul3A_183 : vector<16x256x128xf32>
    %reduce_sum3A_185 = arith.constant dense<0.000000e+00> : vector<16x256xf32>
    %reduce_sum3A_186 = vector.multi_reduction <add>, %mul3A_184, %reduce_sum3A_185 [2] : vector<16x256x128xf32> to vector<16x256xf32>
    %slice3A_187 = vector.extract_strided_slice %dot_general3A_15 {offsets = [192, 0], sizes = [16, 128], strides = [1, 1]} : vector<256x128xf32> to vector<16x128xf32>
    %broadcast_in_dim3A_188 = vector.shape_cast %slice3A_187 : vector<16x128xf32> to vector<16x1x128xf32>
    %broadcast_in_dim3A_189 = vector.shape_cast %dot_general3A_20 : vector<256x128xf32> to vector<1x256x128xf32>
    %add3A_190 = vector.broadcast %broadcast_in_dim3A_188 : vector<16x1x128xf32> to vector<16x256x128xf32>
    %add3A_191 = vector.broadcast %broadcast_in_dim3A_189 : vector<1x256x128xf32> to vector<16x256x128xf32>
    %add3A_192 = arith.addf %add3A_190, %add3A_191 : vector<16x256x128xf32>
    %max3A_193 = arith.constant 0.000000e+00 : f32
    %max3A_194 = vector.broadcast %max3A_193 : f32 to vector<16x256x128xf32>
    %max3A_195 = arith.maximumf %add3A_192, %max3A_194 : vector<16x256x128xf32>
    %broadcast_in_dim3A_196 = vector.shape_cast %get3A_24 : vector<128xf32> to vector<1x1x128xf32>
    %mul3A_197 = vector.broadcast %broadcast_in_dim3A_196 : vector<1x1x128xf32> to vector<16x256x128xf32>
    %mul3A_198 = arith.mulf %max3A_195, %mul3A_197 : vector<16x256x128xf32>
    %reduce_sum3A_199 = arith.constant dense<0.000000e+00> : vector<16x256xf32>
    %reduce_sum3A_200 = vector.multi_reduction <add>, %mul3A_198, %reduce_sum3A_199 [2] : vector<16x256x128xf32> to vector<16x256xf32>
    %slice3A_201 = vector.extract_strided_slice %dot_general3A_15 {offsets = [208, 0], sizes = [16, 128], strides = [1, 1]} : vector<256x128xf32> to vector<16x128xf32>
    %broadcast_in_dim3A_202 = vector.shape_cast %slice3A_201 : vector<16x128xf32> to vector<16x1x128xf32>
    %broadcast_in_dim3A_203 = vector.shape_cast %dot_general3A_20 : vector<256x128xf32> to vector<1x256x128xf32>
    %add3A_204 = vector.broadcast %broadcast_in_dim3A_202 : vector<16x1x128xf32> to vector<16x256x128xf32>
    %add3A_205 = vector.broadcast %broadcast_in_dim3A_203 : vector<1x256x128xf32> to vector<16x256x128xf32>
    %add3A_206 = arith.addf %add3A_204, %add3A_205 : vector<16x256x128xf32>
    %max3A_207 = arith.constant 0.000000e+00 : f32
    %max3A_208 = vector.broadcast %max3A_207 : f32 to vector<16x256x128xf32>
    %max3A_209 = arith.maximumf %add3A_206, %max3A_208 : vector<16x256x128xf32>
    %broadcast_in_dim3A_210 = vector.shape_cast %get3A_24 : vector<128xf32> to vector<1x1x128xf32>
    %mul3A_211 = vector.broadcast %broadcast_in_dim3A_210 : vector<1x1x128xf32> to vector<16x256x128xf32>
    %mul3A_212 = arith.mulf %max3A_209, %mul3A_211 : vector<16x256x128xf32>
    %reduce_sum3A_213 = arith.constant dense<0.000000e+00> : vector<16x256xf32>
    %reduce_sum3A_214 = vector.multi_reduction <add>, %mul3A_212, %reduce_sum3A_213 [2] : vector<16x256x128xf32> to vector<16x256xf32>
    %slice3A_215 = vector.extract_strided_slice %dot_general3A_15 {offsets = [224, 0], sizes = [16, 128], strides = [1, 1]} : vector<256x128xf32> to vector<16x128xf32>
    %broadcast_in_dim3A_216 = vector.shape_cast %slice3A_215 : vector<16x128xf32> to vector<16x1x128xf32>
    %broadcast_in_dim3A_217 = vector.shape_cast %dot_general3A_20 : vector<256x128xf32> to vector<1x256x128xf32>
    %add3A_218 = vector.broadcast %broadcast_in_dim3A_216 : vector<16x1x128xf32> to vector<16x256x128xf32>
    %add3A_219 = vector.broadcast %broadcast_in_dim3A_217 : vector<1x256x128xf32> to vector<16x256x128xf32>
    %add3A_220 = arith.addf %add3A_218, %add3A_219 : vector<16x256x128xf32>
    %max3A_221 = arith.constant 0.000000e+00 : f32
    %max3A_222 = vector.broadcast %max3A_221 : f32 to vector<16x256x128xf32>
    %max3A_223 = arith.maximumf %add3A_220, %max3A_222 : vector<16x256x128xf32>
    %broadcast_in_dim3A_224 = vector.shape_cast %get3A_24 : vector<128xf32> to vector<1x1x128xf32>
    %mul3A_225 = vector.broadcast %broadcast_in_dim3A_224 : vector<1x1x128xf32> to vector<16x256x128xf32>
    %mul3A_226 = arith.mulf %max3A_223, %mul3A_225 : vector<16x256x128xf32>
    %reduce_sum3A_227 = arith.constant dense<0.000000e+00> : vector<16x256xf32>
    %reduce_sum3A_228 = vector.multi_reduction <add>, %mul3A_226, %reduce_sum3A_227 [2] : vector<16x256x128xf32> to vector<16x256xf32>
    %slice3A_229 = vector.extract_strided_slice %dot_general3A_15 {offsets = [240, 0], sizes = [16, 128], strides = [1, 1]} : vector<256x128xf32> to vector<16x128xf32>
    %broadcast_in_dim3A_230 = vector.shape_cast %slice3A_229 : vector<16x128xf32> to vector<16x1x128xf32>
    %broadcast_in_dim3A_231 = vector.shape_cast %dot_general3A_20 : vector<256x128xf32> to vector<1x256x128xf32>
    %add3A_232 = vector.broadcast %broadcast_in_dim3A_230 : vector<16x1x128xf32> to vector<16x256x128xf32>
    %add3A_233 = vector.broadcast %broadcast_in_dim3A_231 : vector<1x256x128xf32> to vector<16x256x128xf32>
    %add3A_234 = arith.addf %add3A_232, %add3A_233 : vector<16x256x128xf32>
    %max3A_235 = arith.constant 0.000000e+00 : f32
    %max3A_236 = vector.broadcast %max3A_235 : f32 to vector<16x256x128xf32>
    %max3A_237 = arith.maximumf %add3A_234, %max3A_236 : vector<16x256x128xf32>
    %broadcast_in_dim3A_238 = vector.shape_cast %get3A_24 : vector<128xf32> to vector<1x1x128xf32>
    %mul3A_239 = vector.broadcast %broadcast_in_dim3A_238 : vector<1x1x128xf32> to vector<16x256x128xf32>
    %mul3A_240 = arith.mulf %max3A_237, %mul3A_239 : vector<16x256x128xf32>
    %reduce_sum3A_241 = arith.constant dense<0.000000e+00> : vector<16x256xf32>
    %reduce_sum3A_242 = vector.multi_reduction <add>, %mul3A_240, %reduce_sum3A_241 [2] : vector<16x256x128xf32> to vector<16x256xf32>
    %concatenate3A = tpu.concatenate %reduce_sum3A_32, %reduce_sum3A_46, %reduce_sum3A_60, %reduce_sum3A_74, %reduce_sum3A_88, %reduce_sum3A_102, %reduce_sum3A_116, %reduce_sum3A_130, %reduce_sum3A_144, %reduce_sum3A_158, %reduce_sum3A_172, %reduce_sum3A_186, %reduce_sum3A_200, %reduce_sum3A_214, %reduce_sum3A_228, %reduce_sum3A_242 in 0 : vector<16x256xf32>, vector<16x256xf32>, vector<16x256xf32>, vector<16x256xf32>, vector<16x256xf32>, vector<16x256xf32>, vector<16x256xf32>, vector<16x256xf32>, vector<16x256xf32>, vector<16x256xf32>, vector<16x256xf32>, vector<16x256xf32>, vector<16x256xf32>, vector<16x256xf32>, vector<16x256xf32>, vector<16x256xf32> -> vector<256x256xf32>
    %get3A_243 = arith.constant 0 : index
    %get3A_244 = arith.constant 0 : index
    %get3A_245 = arith.constant 0 : index
    %get3A_246 = vector.load %arg3[%get3A_243, %get3A_244, %get3A_245] : memref<1x1x256xi32, #tpu.memory_space<vmem>>, vector<1x1x256xi32>
    %get3A_247 = vector.shape_cast %get3A_246 : vector<1x1x256xi32> to vector<256xi32>
    %broadcast_in_dim3A_248 = vector.shape_cast %get3A_247 : vector<256xi32> to vector<256x1xi32>
    %broadcast_in_dim3A_249 = vector.shape_cast %get3A_247 : vector<256xi32> to vector<1x256xi32>
    %sub3A = vector.broadcast %broadcast_in_dim3A_248 : vector<256x1xi32> to vector<256x256xi32>
    %sub3A_250 = vector.broadcast %broadcast_in_dim3A_249 : vector<1x256xi32> to vector<256x256xi32>
    %sub3A_251 = arith.subi %sub3A, %sub3A_250 : vector<256x256xi32>
    %abs3A = math.absi %sub3A_251 : vector<256x256xi32>
    %add3A_252 = arith.constant 1 : i32
    %add3A_253 = vector.broadcast %add3A_252 : i32 to vector<256x256xi32>
    %add3A_254 = arith.addi %abs3A, %add3A_253 : vector<256x256xi32>
    %get3A_255 = arith.constant 0 : index
    %get3A_256 = memref.load %arg8[%get3A_255] : memref<10xf32, #tpu.memory_space<smem>>
    %broadcast_in_dim3A_257 = vector.broadcast %get3A_256 : f32 to vector<256x256xf32>
    %ge3A = arith.constant 2 : i32
    %ge3A_258 = vector.broadcast %ge3A : i32 to vector<256x256xi32>
    %ge3A_259 = arith.cmpi sge, %add3A_254, %ge3A_258 : vector<256x256xi32>
    %get3A_260 = arith.constant 1 : index
    %get3A_261 = memref.load %arg8[%get3A_260] : memref<10xf32, #tpu.memory_space<smem>>
    %get3A_262 = arith.constant 0 : index
    %get3A_263 = memref.load %arg8[%get3A_262] : memref<10xf32, #tpu.memory_space<smem>>
    %sub3A_264 = arith.subf %get3A_261, %get3A_263 : f32
    %jit3A = arith.constant 0.000000e+00 : f32
    %broadcast_in_dim3A_265 = vector.broadcast %sub3A_264 : f32 to vector<256x256xf32>
    %broadcast_in_dim3A_266 = vector.broadcast %jit3A : f32 to vector<256x256xf32>
    %select_n3A = arith.select %ge3A_259, %broadcast_in_dim3A_265, %broadcast_in_dim3A_266 : vector<256x256xi1>, vector<256x256xf32>
    %add3A_267 = arith.addf %broadcast_in_dim3A_257, %select_n3A : vector<256x256xf32>
    %ge3A_268 = arith.constant 4 : i32
    %ge3A_269 = vector.broadcast %ge3A_268 : i32 to vector<256x256xi32>
    %ge3A_270 = arith.cmpi sge, %add3A_254, %ge3A_269 : vector<256x256xi32>
    %get3A_271 = arith.constant 2 : index
    %get3A_272 = memref.load %arg8[%get3A_271] : memref<10xf32, #tpu.memory_space<smem>>
    %get3A_273 = arith.constant 1 : index
    %get3A_274 = memref.load %arg8[%get3A_273] : memref<10xf32, #tpu.memory_space<smem>>
    %sub3A_275 = arith.subf %get3A_272, %get3A_274 : f32
    %jit3A_276 = arith.constant 0.000000e+00 : f32
    %broadcast_in_dim3A_277 = vector.broadcast %sub3A_275 : f32 to vector<256x256xf32>
    %broadcast_in_dim3A_278 = vector.broadcast %jit3A_276 : f32 to vector<256x256xf32>
    %select_n3A_279 = arith.select %ge3A_270, %broadcast_in_dim3A_277, %broadcast_in_dim3A_278 : vector<256x256xi1>, vector<256x256xf32>
    %add3A_280 = arith.addf %add3A_267, %select_n3A_279 : vector<256x256xf32>
    %ge3A_281 = arith.constant 8 : i32
    %ge3A_282 = vector.broadcast %ge3A_281 : i32 to vector<256x256xi32>
    %ge3A_283 = arith.cmpi sge, %add3A_254, %ge3A_282 : vector<256x256xi32>
    %get3A_284 = arith.constant 3 : index
    %get3A_285 = memref.load %arg8[%get3A_284] : memref<10xf32, #tpu.memory_space<smem>>
    %get3A_286 = arith.constant 2 : index
    %get3A_287 = memref.load %arg8[%get3A_286] : memref<10xf32, #tpu.memory_space<smem>>
    %sub3A_288 = arith.subf %get3A_285, %get3A_287 : f32
    %jit3A_289 = arith.constant 0.000000e+00 : f32
    %broadcast_in_dim3A_290 = vector.broadcast %sub3A_288 : f32 to vector<256x256xf32>
    %broadcast_in_dim3A_291 = vector.broadcast %jit3A_289 : f32 to vector<256x256xf32>
    %select_n3A_292 = arith.select %ge3A_283, %broadcast_in_dim3A_290, %broadcast_in_dim3A_291 : vector<256x256xi1>, vector<256x256xf32>
    %add3A_293 = arith.addf %add3A_280, %select_n3A_292 : vector<256x256xf32>
    %ge3A_294 = arith.constant 16 : i32
    %ge3A_295 = vector.broadcast %ge3A_294 : i32 to vector<256x256xi32>
    %ge3A_296 = arith.cmpi sge, %add3A_254, %ge3A_295 : vector<256x256xi32>
    %get3A_297 = arith.constant 4 : index
    %get3A_298 = memref.load %arg8[%get3A_297] : memref<10xf32, #tpu.memory_space<smem>>
    %get3A_299 = arith.constant 3 : index
    %get3A_300 = memref.load %arg8[%get3A_299] : memref<10xf32, #tpu.memory_space<smem>>
    %sub3A_301 = arith.subf %get3A_298, %get3A_300 : f32
    %jit3A_302 = arith.constant 0.000000e+00 : f32
    %broadcast_in_dim3A_303 = vector.broadcast %sub3A_301 : f32 to vector<256x256xf32>
    %broadcast_in_dim3A_304 = vector.broadcast %jit3A_302 : f32 to vector<256x256xf32>
    %select_n3A_305 = arith.select %ge3A_296, %broadcast_in_dim3A_303, %broadcast_in_dim3A_304 : vector<256x256xi1>, vector<256x256xf32>
    %add3A_306 = arith.addf %add3A_293, %select_n3A_305 : vector<256x256xf32>
    %ge3A_307 = arith.constant 32 : i32
    %ge3A_308 = vector.broadcast %ge3A_307 : i32 to vector<256x256xi32>
    %ge3A_309 = arith.cmpi sge, %add3A_254, %ge3A_308 : vector<256x256xi32>
    %get3A_310 = arith.constant 5 : index
    %get3A_311 = memref.load %arg8[%get3A_310] : memref<10xf32, #tpu.memory_space<smem>>
    %get3A_312 = arith.constant 4 : index
    %get3A_313 = memref.load %arg8[%get3A_312] : memref<10xf32, #tpu.memory_space<smem>>
    %sub3A_314 = arith.subf %get3A_311, %get3A_313 : f32
    %jit3A_315 = arith.constant 0.000000e+00 : f32
    %broadcast_in_dim3A_316 = vector.broadcast %sub3A_314 : f32 to vector<256x256xf32>
    %broadcast_in_dim3A_317 = vector.broadcast %jit3A_315 : f32 to vector<256x256xf32>
    %select_n3A_318 = arith.select %ge3A_309, %broadcast_in_dim3A_316, %broadcast_in_dim3A_317 : vector<256x256xi1>, vector<256x256xf32>
    %add3A_319 = arith.addf %add3A_306, %select_n3A_318 : vector<256x256xf32>
    %ge3A_320 = arith.constant 64 : i32
    %ge3A_321 = vector.broadcast %ge3A_320 : i32 to vector<256x256xi32>
    %ge3A_322 = arith.cmpi sge, %add3A_254, %ge3A_321 : vector<256x256xi32>
    %get3A_323 = arith.constant 6 : index
    %get3A_324 = memref.load %arg8[%get3A_323] : memref<10xf32, #tpu.memory_space<smem>>
    %get3A_325 = arith.constant 5 : index
    %get3A_326 = memref.load %arg8[%get3A_325] : memref<10xf32, #tpu.memory_space<smem>>
    %sub3A_327 = arith.subf %get3A_324, %get3A_326 : f32
    %jit3A_328 = arith.constant 0.000000e+00 : f32
    %broadcast_in_dim3A_329 = vector.broadcast %sub3A_327 : f32 to vector<256x256xf32>
    %broadcast_in_dim3A_330 = vector.broadcast %jit3A_328 : f32 to vector<256x256xf32>
    %select_n3A_331 = arith.select %ge3A_322, %broadcast_in_dim3A_329, %broadcast_in_dim3A_330 : vector<256x256xi1>, vector<256x256xf32>
    %add3A_332 = arith.addf %add3A_319, %select_n3A_331 : vector<256x256xf32>
    %ge3A_333 = arith.constant 128 : i32
    %ge3A_334 = vector.broadcast %ge3A_333 : i32 to vector<256x256xi32>
    %ge3A_335 = arith.cmpi sge, %add3A_254, %ge3A_334 : vector<256x256xi32>
    %get3A_336 = arith.constant 7 : index
    %get3A_337 = memref.load %arg8[%get3A_336] : memref<10xf32, #tpu.memory_space<smem>>
    %get3A_338 = arith.constant 6 : index
    %get3A_339 = memref.load %arg8[%get3A_338] : memref<10xf32, #tpu.memory_space<smem>>
    %sub3A_340 = arith.subf %get3A_337, %get3A_339 : f32
    %jit3A_341 = arith.constant 0.000000e+00 : f32
    %broadcast_in_dim3A_342 = vector.broadcast %sub3A_340 : f32 to vector<256x256xf32>
    %broadcast_in_dim3A_343 = vector.broadcast %jit3A_341 : f32 to vector<256x256xf32>
    %select_n3A_344 = arith.select %ge3A_335, %broadcast_in_dim3A_342, %broadcast_in_dim3A_343 : vector<256x256xi1>, vector<256x256xf32>
    %add3A_345 = arith.addf %add3A_332, %select_n3A_344 : vector<256x256xf32>
    %ge3A_346 = arith.constant 256 : i32
    %ge3A_347 = vector.broadcast %ge3A_346 : i32 to vector<256x256xi32>
    %ge3A_348 = arith.cmpi sge, %add3A_254, %ge3A_347 : vector<256x256xi32>
    %get3A_349 = arith.constant 8 : index
    %get3A_350 = memref.load %arg8[%get3A_349] : memref<10xf32, #tpu.memory_space<smem>>
    %get3A_351 = arith.constant 7 : index
    %get3A_352 = memref.load %arg8[%get3A_351] : memref<10xf32, #tpu.memory_space<smem>>
    %sub3A_353 = arith.subf %get3A_350, %get3A_352 : f32
    %jit3A_354 = arith.constant 0.000000e+00 : f32
    %broadcast_in_dim3A_355 = vector.broadcast %sub3A_353 : f32 to vector<256x256xf32>
    %broadcast_in_dim3A_356 = vector.broadcast %jit3A_354 : f32 to vector<256x256xf32>
    %select_n3A_357 = arith.select %ge3A_348, %broadcast_in_dim3A_355, %broadcast_in_dim3A_356 : vector<256x256xi1>, vector<256x256xf32>
    %add3A_358 = arith.addf %add3A_345, %select_n3A_357 : vector<256x256xf32>
    %ge3A_359 = arith.constant 512 : i32
    %ge3A_360 = vector.broadcast %ge3A_359 : i32 to vector<256x256xi32>
    %ge3A_361 = arith.cmpi sge, %add3A_254, %ge3A_360 : vector<256x256xi32>
    %get3A_362 = arith.constant 9 : index
    %get3A_363 = memref.load %arg8[%get3A_362] : memref<10xf32, #tpu.memory_space<smem>>
    %get3A_364 = arith.constant 8 : index
    %get3A_365 = memref.load %arg8[%get3A_364] : memref<10xf32, #tpu.memory_space<smem>>
    %sub3A_366 = arith.subf %get3A_363, %get3A_365 : f32
    %jit3A_367 = arith.constant 0.000000e+00 : f32
    %broadcast_in_dim3A_368 = vector.broadcast %sub3A_366 : f32 to vector<256x256xf32>
    %broadcast_in_dim3A_369 = vector.broadcast %jit3A_367 : f32 to vector<256x256xf32>
    %select_n3A_370 = arith.select %ge3A_361, %broadcast_in_dim3A_368, %broadcast_in_dim3A_369 : vector<256x256xi1>, vector<256x256xf32>
    %add3A_371 = arith.addf %add3A_358, %select_n3A_370 : vector<256x256xf32>
    %get3A_372 = arith.constant 0 : index
    %get3A_373 = arith.constant 0 : index
    %get3A_374 = arith.constant 0 : index
    %get3A_375 = vector.load %arg2[%get3A_372, %get3A_373, %get3A_374] : memref<1x1x256xf32, #tpu.memory_space<vmem>>, vector<1x1x256xf32>
    %get3A_376 = vector.shape_cast %get3A_375 : vector<1x1x256xf32> to vector<256xf32>
    %add3A_377 = arith.addf %concatenate3A, %add3A_371 : vector<256x256xf32>
    %broadcast_in_dim3A_378 = vector.shape_cast %get3A_376 : vector<256xf32> to vector<256x1xf32>
    %add3A_379 = vector.broadcast %broadcast_in_dim3A_378 : vector<256x1xf32> to vector<256x256xf32>
    %add3A_380 = arith.addf %add3A_377, %add3A_379 : vector<256x256xf32>
    %broadcast_in_dim3A_381 = vector.shape_cast %get3A_376 : vector<256xf32> to vector<1x256xf32>
    %add3A_382 = vector.broadcast %broadcast_in_dim3A_381 : vector<1x256xf32> to vector<256x256xf32>
    %add3A_383 = arith.addf %add3A_380, %add3A_382 : vector<256x256xf32>
    %iota3A = tpu.iota {dimensions = array<i32: 0>} : vector<256x256xi32>
    %iota3A_384 = tpu.iota {dimensions = array<i32: 1>} : vector<256x256xi32>
    %eq3A = arith.cmpi eq, %iota3A, %iota3A_384 : vector<256x256xi32>
    %jit3A_385 = arith.constant 0.000000e+00 : f32
    %broadcast_in_dim3A_386 = vector.broadcast %jit3A_385 : f32 to vector<256x256xf32>
    %select_n3A_387 = arith.select %eq3A, %broadcast_in_dim3A_386, %add3A_383 : vector<256x256xi1>, vector<256x256xf32>
    %swap3A_388 = arith.constant 0 : index
    %swap3A_389 = arith.constant 0 : index
    %swap3A_390 = arith.constant 0 : index
    %swap3A_391 = vector.load %arg10[%swap3A_388, %swap3A_389, %swap3A_390] : memref<1x256x256xf32, #tpu.memory_space<vmem>>, vector<1x256x256xf32>
    %swap3A_392 = vector.shape_cast %swap3A_391 : vector<1x256x256xf32> to vector<256x256xf32>
    %swap3A_393 = vector.shape_cast %select_n3A_387 : vector<256x256xf32> to vector<1x256x256xf32>
    tpu.vector_store %arg10[%swap3A_388, %swap3A_389, %swap3A_390], %swap3A_393 {strides = array<i32>} : memref<1x256x256xf32, #tpu.memory_space<vmem>>, vector<1x256x256xf32>,
    return
  }
  func.func @transform_0(%arg0: i32) -> (i32, i32) {
    %c0_i32 = arith.constant 0 : i32
    %c0_i32_0 = arith.constant 0 : i32
    return %arg0, %c0_i32 : i32, i32
  }
  func.func @transform_1(%arg0: i32) -> (i32, i32, i32) {
    %c0_i32 = arith.constant 0 : i32
    %c0_i32_0 = arith.constant 0 : i32
    %c0_i32_1 = arith.constant 0 : i32
    return %arg0, %c0_i32, %c0_i32_0 : i32, i32, i32
  }
  func.func @transform_2(%arg0: i32) -> (i32, i32, i32) {
    %c0_i32 = arith.constant 0 : i32
    %c0_i32_0 = arith.constant 0 : i32
    %c0_i32_1 = arith.constant 0 : i32
    return %arg0, %c0_i32, %c0_i32_0 : i32, i32, i32
  }
  func.func @transform_3(%arg0: i32) -> (i32, i32) {
    %c0_i32 = arith.constant 0 : i32
    %c0_i32_0 = arith.constant 0 : i32
    %c0_i32_1 = arith.constant 0 : i32
    return %c0_i32, %c0_i32_0 : i32, i32
  }
  func.func @transform_4(%arg0: i32) -> (i32, i32) {
    %c0_i32 = arith.constant 0 : i32
    %c0_i32_0 = arith.constant 0 : i32
    %c0_i32_1 = arith.constant 0 : i32
    return %c0_i32, %c0_i32_0 : i32, i32
  }
  func.func @transform_5(%arg0: i32) -> (i32, i32) {
    %c0_i32 = arith.constant 0 : i32
    %c0_i32_0 = arith.constant 0 : i32
    %c0_i32_1 = arith.constant 0 : i32
    return %c0_i32, %c0_i32_0 : i32, i32
  }
  func.func @transform_6(%arg0: i32) -> (i32, i32) {
    %c0_i32 = arith.constant 0 : i32
    %c0_i32_0 = arith.constant 0 : i32
    %c0_i32_1 = arith.constant 0 : i32
    return %c0_i32, %c0_i32_0 : i32, i32
  }
  func.func @transform_7(%arg0: i32) -> i32 {
    %c0_i32 = arith.constant 0 : i32
    %c0_i32_0 = arith.constant 0 : i32
    return %c0_i32 : i32
  }
  func.func @transform_8(%arg0: i32) -> (i32, i32, i32) {
    %c0_i32 = arith.constant 0 : i32
    %c0_i32_0 = arith.constant 0 : i32
    %c0_i32_1 = arith.constant 0 : i32
    return %arg0, %c0_i32, %c0_i32_0 : i32, i32, i32
  }
  func.func @transform_9(%arg0: i32) -> (i32, i32, i32) {
    %c0_i32 = arith.constant 0 : i32
    %c0_i32_0 = arith.constant 0 : i32
    %c0_i32_1 = arith.constant 0 : i32
    return %arg0, %c0_i32, %c0_i32_0 : i32, i32, i32
  }
}

</mosaic_0001>

<sc_bundles>
// kernel: kernel.6.cloned.1.call-start
scs
__scs_entry_jumppad:
0x0: {  	(pc) =	sbr.rel $0x88, $3  }
0x1: {  	(tag) =	ssettag $0x0;
	lr =	simm.s32 $0x1  }
0x2: {  	[smem:$0x3F93] =	sst lr;
	_ =	strace $0xD0000000  }
0x3: {  	_ = 	snop  }
0x4: {  	_ = 	snop  }
0x5: {  	_ = 	snop  }
0x6: {  	_ = 	snop  }
0x7: {  	_ = 	snop  }
__scs_overlays_trampoline_lowered:
0x8: {  	[smem:$0x3FA2] =	sst s0  }
0x9: {  	[smem:$0x3FA3] =	sst s1  }
0xa: {  	[smem:$0x3FA4] =	sst s2  }
0xb: {  	[smem:$0x3FA5] =	sst s3  }
0xc: {  	[smem:$0x3FA6] =	sst s4  }
0xd: {  	[smem:$0x3FA7] =	sst s5  }
0xe: {  	[smem:$0x3FA8] =	sst s6  }
0xf: {  	[smem:$0x3FA9] =	sst s7  }
0x10: {  	[smem:$0x3FAA] =	sst s8  }
0x11: {  	[smem:$0x3FAB] =	sst s9;
	s0 =	simm.s32 @!p0 $0x0  }
0x12: {  	s1 =	sld [smem:$0x3F91];
	s0 =	simm.s32 @p0 $0x1  }
0x13: {  	[smem:$0x3FAC] =	sst s0;
	s0 =	simm.s32 @!p1 $0x0  }
0x14: {  	s2 =	sld [smem:$0x3F90];
	s0 =	simm.s32 @p1 $0x1  }
0x15: {  	[smem:$0x3FAD] =	sst s0;
	s0 =	simm.s32 @!p2 $0x0  }
0x16: {  	s3 =	sld [smem:$0x3FDB];
	s0 =	simm.s32 @p2 $0x1  }
0x17: {  	s4 =	simm.s32 $0x1BF5;
	[smem:$0x3FAF] =	sst s0  }
0x18: {  	s0 =	sld [smem:$0x3F92];
	_ =	swait.ge [sflag:s4], $0x0  }
0x19: {  	s7 =	sld [smem:$0x3F93]  }
0x1a: {  	s8 =	sadd.s32 $0xFFFFE003, lr  }
0x1b: {  	s9 =	sadd.s32 $0xFFFFFEF7, lr;
	s5 =	simm.s32 $0xFFFFFFFF;
	p2 =	slt.u32 s8, $0xFFFFF086  }
0x1c: {  	p1 =	slt.u32 s9, $0xF7A;
	s5 =	simm.s32 @!p2 $0x0  }
0x1d: {  	s5 =	simm.s32 @p1 $0x1;
	p0 =	seq.s32 s7, s2  }
0x1e: {  	s7 =	smul.u32 @!p0 $0xF7A, s2;
	p2 =	seq.s32 @!p0 s5, $0x0  }
0x1f: {  	s9 =	smul.u32 $0xF7A, s1;
	s8 =	simm.s32 @!p0 $0x1BF5;
	p2 =	por !p2, p0  }
0x20: {  	[sflag:s8] =	ssyncset.s32 @!p0 $0xFFFFF086;
	s6 =	sadd.s32 @!p0 s3, s7;
	s7 =	simm.s32 @!p0 $0x108  }
0x21: {  	s3 =	sadd.s32 s3, s9;
	s6 =	sadd.s32 @!p0 $0x88, s6;
	s7 =	simm.s32 @p2 $0x1082  }
0x22: {  	[simem:s7], [sflag:s8] =	dma.local @!p0 [hbm:s6], $0xF7A  }
0x23: {  	s9 =	sor.u32 $0xD0000000, s2;
	s6 =	simm.s32 $0x108;
	_ =	swait.ge @!p0 [sflag:s8], $0x0  }
0x24: {  	s3 =	sadd.s32 $0x88, s3;
	s6 =	simm.s32 @!p1 $0x1082;
	[sflag:s4] =	ssyncset.s32 $0xFFFFF086  }
0x25: {  	[simem:s6], [sflag:s4] =	dma.local [hbm:s3], $0xF7A  }
0x26: {  	[smem:$0x3F93] =	sst s1;
	(tag) =	ssettag s2;
	_ =	strace s9  }
0x27: {  	s1 =	sld [smem:$0x3FA3]  }
0x28: {  	s2 =	sld [smem:$0x3FA4]  }
0x29: {  	s4 =	sld [smem:$0x3FA6]  }
0x2a: {  	p0 =	seq.s32 s5, $0x0;
	s5 =	sld [smem:$0x3FA7]  }
0x2b: {  	s6 =	sld [smem:$0x3FA8]  }
0x2c: {  	s7 =	sld [smem:$0x3FA9]  }
0x2d: {  	s3 =	simm.s32 $0x108;
	s8 =	sld [smem:$0x3FAA]  }
0x2e: {  	s3 =	simm.s32 @!p0 $0x1082;
	s9 =	sld [smem:$0x3FAB]  }
0x2f: {  	lr =	sadd.s32 s0, s3;
	s0 =	sld [smem:$0x3FA2]  }
0x30: {  	s3 =	sld [smem:$0x3FA5]  }
0x31: {  	[smem:$0x3FAE] =	sst s10  }
0x32: {  	s10 =	sld [smem:$0x3FAC];
	_ =	sdelay $0x3  }
0x33: {  	p0 =	seq.s32 s10, $0x1;
	s10 =	sld [smem:$0x3FAE];
	_ =	sdelay $0x3  }
0x34: {  	[smem:$0x3FAE] =	sst s10  }
0x35: {  	s10 =	sld [smem:$0x3FAD];
	_ =	sdelay $0x3  }
0x36: {  	p1 =	seq.s32 s10, $0x1;
	s10 =	sld [smem:$0x3FAE];
	_ =	sdelay $0x3  }
0x37: {  	[smem:$0x3FAE] =	sst s10  }
0x38: {  	s10 =	sld [smem:$0x3FAF]  }
0x39: {  	_ = 	snop;
	(pc) =	sbr.ind lr, $3  }
0x3a: {  	_ = 	snop  }
0x3b: {  	_ = 	snop  }
0x3c: {  	p2 =	seq.s32 s10, $0x1;
	s10 =	sld [smem:$0x3FAE]  }
0x3d: {  	_ =	shalt  }
0x3e: {  	_ =	shalt  }
0x3f: {  	_ =	shalt  }
0x40: {  	_ =	shalt  }
0x41: {  	_ =	shalt  }
0x42: {  	_ =	shalt  }
0x43: {  	_ =	shalt  }
0x44: {  	_ =	shalt  }
0x45: {  	_ =	shalt  }
0x46: {  	_ =	shalt  }
0x47: {  	_ =	shalt  }
0x48: {  	_ =	shalt  }
0x49: {  	_ =	shalt  }
0x4a: {  	_ =	shalt  }
0x4b: {  	_ =	shalt  }
0x4c: {  	_ =	shalt  }
0x4d: {  	_ =	shalt  }
0x4e: {  	_ =	shalt  }
0x4f: {  	_ =	shalt  }
0x50: {  	_ =	shalt  }
0x51: {  	_ =	shalt  }
0x52: {  	_ =	shalt  }
0x53: {  	_ =	shalt  }
0x54: {  	_ =	shalt  }
0x55: {  	_ =	shalt  }
0x56: {  	_ =	shalt  }
0x57: {  	_ =	shalt  }
0x58: {  	_ =	shalt  }
0x59: {  	_ =	shalt  }
0x5a: {  	_ =	shalt  }
0x5b: {  	_ =	shalt  }
0x5c: {  	_ =	shalt  }
0x5d: {  	_ =	shalt  }
0x5e: {  	_ =	shalt  }
0x5f: {  	_ =	shalt  }
0x60: {  	_ =	shalt  }
0x61: {  	_ =	shalt  }
0x62: {  	_ =	shalt  }
0x63: {  	_ =	shalt  }
0x64: {  	_ =	shalt  }
0x65: {  	_ =	shalt  }
0x66: {  	_ =	shalt  }
0x67: {  	_ =	shalt  }
0x68: {  	_ =	shalt  }
0x69: {  	_ =	shalt  }
0x6a: {  	_ =	shalt  }
0x6b: {  	_ =	shalt  }
0x6c: {  	_ =	shalt  }
0x6d: {  	_ =	shalt  }
0x6e: {  	_ =	shalt  }
0x6f: {  	_ =	shalt  }
0x70: {  	_ =	shalt  }
0x71: {  	_ =	shalt  }
0x72: {  	_ =	shalt  }
0x73: {  	_ =	shalt  }
0x74: {  	_ =	shalt  }
0x75: {  	_ =	shalt  }
0x76: {  	_ =	shalt  }
0x77: {  	_ =	shalt  }
0x78: {  	_ =	shalt  }
0x79: {  	_ =	shalt  }
0x7a: {  	_ =	shalt  }
0x7b: {  	_ =	shalt  }
0x7c: {  	_ =	shalt  }
0x7d: {  	_ =	shalt  }
0x7e: {  	_ =	shalt  }
0x7f: {  	_ =	shalt  }
0x80: {  	_ =	shalt  }
0x81: {  	_ =	shalt  }
0x82: {  	_ =	shalt  }
0x83: {  	_ =	shalt  }
0x84: {  	_ =	shalt  }
0x85: {  	_ =	shalt  }
0x86: {  	_ =	shalt  }
0x87: {  	_ =	shalt  }
.Lfunc_end0:
.L_simem_size_0:
called_computation_lowered:
.L_overlay_start_0:
0x88: {  	s2 =	sld [smem:$0x3FD9]  }
0x89: {  	s3 =	sld [smem:$0x3FFE];
	_ =	sdelay $0x1  }
0x8a: {  	s1 =	srdreg.scid  }
0x8b: {  	s0 =	sand.u32 $0x1, s1  }
0x8c: {  	s17 =	sshll.u32 s0, $0xA;
	s2 =	sadd.s32 s3, s2  }
0x8d: {  	s2 =	sadd.s32 s2, s17  }
0x8e: {  	[smem:$0x3FBA] =	sst s2  }
0x8f: {  	_ = 	snop  }
0x90: {  	s2 =	sld [smem:$0x3FC9];
	(tm) =	ssettm $0x1  }
0x91: {  	s18 =	sld [smem:$0x3FFB];
	_ =	sdelay $0x3  }
0x92: {  	_ =	strace s18  }
0x93: {  	s3 =	sld [smem:$0x3FFC];
	_ =	sdelay $0x3  }
0x94: {  	_ =	strace s3  }
0x95: {  	s3 =	sld [smem:$0x3FFD];
	_ =	sdelay $0x3  }
0x96: {  	_ =	strace s3  }
0x97: {  	_ =	strace $0x8FFFFFFF  }
0x98: {  	s19 =	sld [smem:$0x3FDB];
	_ =	sdelay $0x1  }
0x99: {  	s4 =	simm.s32 $_scs_section_size  }
0x9a: {  	s5 =	simm.s32 $_size__tile_overlayer_lowered;
	s6 =	simm.s32 $_tile_overlayer_lowered  }
0x9b: {  	s22 =	simm.s32 $0x1BFF;
	s21 =	sshll.u32 s6, $0x1;
	s3 =	sadd.s32 s4, s19  }
0x9c: {  	s7 =	simm.s32 $0x0;
	s20 =	sshll.u32 s5, $0x1;
	s5 =	sadd.s32 s21, s3  }
0x9d: {  	[timem:s7], [sflag:s22] =	dma.local [hbm:s5], s20  }
0x9e: {  	_ =	swait.ge [sflag:s22], s20  }
0x9f: {  	s4 =	ssub.s32 $0x0, s20;
	[sflag:s22] =	ssyncset.done $0x0  }
0xa0: {  	[sflag:s22] =	ssyncadd.s32 s4;
	_ =	sdelay $0x1  }
0xa1: {  	s23 =	simm.s32 $0x1B8B  }
0xa2: {  	_ =	swait.ge [sflag:s23], $0x1  }
0xa3: {  	[sflag:s23] =	ssyncset.done $0x0  }
0xa4: {  	s25 =	simm.s32 $0x1B8E;
	s24 =	sld [smem:$0x3FFE];
	[sflag:s23] =	ssyncadd.s32 $0xFFFFFFFF  }
0xa5: {  	s26 =	simm.s32 $execute0_lowered;
	[smem:$0x3FD2] =	sst s25  }
0xa6: {  	s5 =	sshll.u32 s26, $0x1;
	_ =	strace $0x80000046;
	[dreg:$0x1] =	wrdreg $0xFFFFFFFF  }
0xa7: {  	s28 =	simm.s32 $_size_execute0_lowered;
	s3 =	sadd.s32 s3, s5;
	[dreg:$0x0] =	wrdreg $0x0  }
0xa8: {  	s5 =	sshll.u32 s28, $0x1;
	[dreg:$0x2] =	wrdreg s3  }
0xa9: {  	[dreg:$0x3] =	wrdreg s5  }
0xaa: {  	[dreg:$0x4] =	wrdreg $0xC0  }
0xab: {  	_ =	task [dreg:s7], $0x5FFFF  }
0xac: {  	[dreg:$0x1] =	wrdreg $0xFFFFFFFF  }
0xad: {  	[dreg:$0x0] =	wrdreg $0x60  }
0xae: {  	[dreg:$0x2] =	wrdreg s2  }
0xaf: {  	[dreg:$0x3] =	wrdreg s24  }
0xb0: {  	[dreg:$0x4] =	wrdreg $0x9  }
0xb1: {  	_ =	task.clear_ibuf [dreg:s7], $0x5FFFF;
	_ =	strace $0x90000046  }
0xb2: {  	s29 =	simm.s32 $0x9;
	_ =	strace $0x80000048  }
0xb3: {  	_ =	swait.ge [sflag:s29], $0x1  }
0xb4: {  	[sflag:s29] =	ssyncadd.s32 $0xFFFFFFFF  }
0xb5: {  	_ =	strace $0x90000048  }
0xb6: {  	_ =	sfence  }
0xb7: {  	s30 =	sld [smem:$0x0];
	_ =	sdelay $0x2  }
0xb8: {  	s31 =	sshll.u32 s1, $0xD;
	s1 =	sshrl.u32 s1, $0x2  }
0xb9: {  	s3 =	sand.u32 $0x4000, s31;
	s1 =	sadd.s32 s1, s30  }
0xba: {  	s0 =	sor.u32 s3, s0;
	s1 =	sshll.u32 s1, $0x11  }
0xbb: {  	s0 =	sor.u32 s1, s0  }
0xbc: {  	s0 =	sadd.s32 $0x8F2B, s0  }
0xbd: {  	[sflag:s0] =	ssyncadd.remote.s32 $0x1  }
0xbe: {  	_ =	sfence.sel $0xFFFF  }
0xbf: {  	[dreg:$0x0] =	wrdreg $0xFFFFFFFF;
	(pc) =	sbr.abs _section_cstart, $3  }
0xc0: {  	[dreg:$0x1] =	wrdreg $0xFFFFFFFF  }
0xc1: {  	_ =	task.clear_ibuf [dreg:s7], $0x2FFFF;
	_ =	strace $0x9FFFFFFF  }
0xc2: {  	(tm) =	ssettm $0x7FFFFFFF  }
0xc3: {  	_ =	shalt  }
tec
execute0_lowered:
.L_overlay_start_1:
0x0: {  	(tag) =	ssettag $0x1  }
0x1: {  	s1 =	rddreg [dreg:$0x0]  }
0x2: {  	s4 =	rddreg [dreg:$0x1]  }
0x3: {  	s0 =	rddreg [dreg:$0x2];
	s5 =	srdreg.scid  }
0x4: {  	s3 =	simm.s32 $0x0;
	s2 =	stileid.u32;
	s11 =	simm.s32 $0x80  }
0x5: {  	s12 =	simm.s32 $0x880;
	s13 =	simm.s32 $0x1080;
	s14 =	simm.s32 $0x1880  }
0x6: {  	s15 =	simm.s32 $0x2080;
	s16 =	simm.s32 $0x2880;
	s17 =	simm.s32 $0x3080  }
0x7: {  	s18 =	simm.s32 $0x3880;
	s19 =	simm.s32 $0x4080;
	s20 =	simm.s32 $0x4880  }
0x8: {  	s21 =	simm.s32 $0x5080;
	s22 =	simm.s32 $0x5880;
	s23 =	simm.s32 $0x6080  }
0x9: {  	s24 =	simm.s32 $0x6880;
	s25 =	simm.s32 $0x7080;
	s26 =	simm.s32 $0x7880  }
0xa: {  	s28 =	simm.s32 $0x1;
	s5 =	sand.u32 $0x1, s5;
	[smem:$0x7FF] =	sst s3  }
0xb: {  	s6 =	sshll.u32 s2, $0x6;
	s7 =	sshll.u32 s5, $0x5;
	s5 =	ssub.s32 $0x2, s5  }
0xc: {  	_ =	strace $0x80000047;
	s6 =	sor.u32 s7, s6;
	s8 =	sshrl.u32 s5, $0x1  }
0xd: {  	s7 =	sshrl.u32 s6, $0x3;
	s6 =	sshll.u32 s6, $0x7;
	s10 =	ssub.s32 s5, s8  }
0xe: {  	v2 =	vlaneseq.u32;
	s5 =	sadd.s32 $0x100, s1;
	s7 =	sadd.s32 s7, s4;
	s9 =	sadd.s32 s6, s4  }
0xf: {  	vm0 =	vmmov $0xffff;
	v1 =	vshrl.u32 v2, $0x3;
	s6 =	sadd.s32 $0x200, s1;
	s4 =	sadd.s32 $0x2C00, s7;
	s7 =	sadd.s32 $0x300, s1  }
0x10: {  	v0 =	vand.u32 $0x7, v2;
	v2 =	vor.u32 $0x8, v2;
	v1 =	vmul.u32 $0x8, v1;
	s8 =	sadd.s32 $0x2E00, s9;
	s9 =	smax.u32 s10, $0x1;
	s10 =	simm.s32 $0x2  }
.LBB2_1:
0x11: {  	[tilespmem:s3], [sflag:$0x2] =	stream.linear.gather [hbm4b:s4+s3], $0x20, $0x38;
	[tilespmem:$0x8080] =	vst v63  }
0x12: {  	_ =	swait.ge [sflag:s10], $0x20  }
0x13: {  	[sflag:s10] =	ssyncset.done $0x0  }
0x14: {  	[sflag:s10] =	ssyncadd.s32 $0xFFFFFFE0  }
0x15: {  	v3 =	vld [tilespmem:$0x0];
	_ =	sdelay $0x4  }
0x16: {  	v4 =	vshll.u32 v3, $0x3  }
0x17: {  	v3 =	vand.u32 $0x7, v3;
	v4 =	vand.u32 $0xFFFFFFC0, v4  }
0x18: {  	v3 =	vor.u32 v3, v4  }
0x19: {  	v4 =	vperm.xlane v3, v0;
	_ =	sdelay $0x1  }
0x1a: {  	v4 =	vadd.s32 v1, v4;
	_ =	sdelay $0x4  }
0x1b: {  	[tilespmem:s11], [sflag:$0x1] =	stream.indirect_vreg.gather [hbm4b:s1+s3], $0x80, v4, vm0, $0xb8;
	[tilespmem:$0x8080] =	vst v63  }
0x1c: {  	v3 =	vperm.xlane v3, v2  }
0x1d: {  	[tilespmem:s12], [sflag:$0x1] =	stream.indirect_vreg.gather [hbm4b:s5+s3], $0x80, v4, vm0, $0xb8;
	[tilespmem:$0x8080] =	vst v63  }
0x1e: {  	v3 =	vadd.s32 v1, v3  }
0x1f: {  	[tilespmem:s13], [sflag:$0x1] =	stream.indirect_vreg.gather [hbm4b:s6+s3], $0x80, v4, vm0, $0xb8;
	[tilespmem:$0x8080] =	vst v63  }
0x20: {  	_ = 	snop  }
0x21: {  	[tilespmem:s14], [sflag:$0x1] =	stream.indirect_vreg.gather [hbm4b:s7+s3], $0x80, v4, vm0, $0xb8;
	[tilespmem:$0x8080] =	vst v63  }
0x22: {  	_ = 	snop  }
0x23: {  	[tilespmem:s15], [sflag:$0x1] =	stream.indirect_vreg.gather [hbm4b:s1+s3], $0x80, v3, vm0, $0xb8;
	[tilespmem:$0x8080] =	vst v63  }
0x24: {  	_ = 	snop  }
0x25: {  	[tilespmem:s16], [sflag:$0x1] =	stream.indirect_vreg.gather [hbm4b:s5+s3], $0x80, v3, vm0, $0xb8;
	[tilespmem:$0x8080] =	vst v63  }
0x26: {  	_ = 	snop  }
0x27: {  	[tilespmem:s17], [sflag:$0x1] =	stream.indirect_vreg.gather [hbm4b:s6+s3], $0x80, v3, vm0, $0xb8;
	[tilespmem:$0x8080] =	vst v63  }
0x28: {  	_ = 	snop  }
0x29: {  	[tilespmem:s18], [sflag:$0x1] =	stream.indirect_vreg.gather [hbm4b:s7+s3], $0x80, v3, vm0, $0xb8;
	[tilespmem:$0x8080] =	vst v63  }
0x2a: {  	v3 =	vld [tilespmem:$0x10];
	_ =	sdelay $0x4  }
0x2b: {  	v63 =	vshll.u32 v3, $0x3  }
0x2c: {  	v3 =	vand.u32 $0x7, v3;
	v4 =	vand.u32 $0xFFFFFFC0, v63  }
0x2d: {  	v3 =	vor.u32 v3, v4  }
0x2e: {  	v4 =	vperm.xlane v3, v0;
	_ =	sdelay $0x1  }
0x2f: {  	v4 =	vadd.s32 v1, v4;
	_ =	sdelay $0x4  }
0x30: {  	[tilespmem:s19], [sflag:$0x1] =	stream.indirect_vreg.gather [hbm4b:s1+s3], $0x80, v4, vm0, $0xb8;
	[tilespmem:$0x8080] =	vst v63  }
0x31: {  	v3 =	vperm.xlane v3, v2  }
0x32: {  	[tilespmem:s20], [sflag:$0x1] =	stream.indirect_vreg.gather [hbm4b:s5+s3], $0x80, v4, vm0, $0xb8;
	[tilespmem:$0x8080] =	vst v63  }
0x33: {  	v3 =	vadd.s32 v1, v3  }
0x34: {  	[tilespmem:s21], [sflag:$0x1] =	stream.indirect_vreg.gather [hbm4b:s6+s3], $0x80, v4, vm0, $0xb8;
	[tilespmem:$0x8080] =	vst v63  }
0x35: {  	_ = 	snop  }
0x36: {  	[tilespmem:s22], [sflag:$0x1] =	stream.indirect_vreg.gather [hbm4b:s7+s3], $0x80, v4, vm0, $0xb8;
	[tilespmem:$0x8080] =	vst v63  }
0x37: {  	_ = 	snop  }
0x38: {  	[tilespmem:s23], [sflag:$0x1] =	stream.indirect_vreg.gather [hbm4b:s1+s3], $0x80, v3, vm0, $0xb8;
	[tilespmem:$0x8080] =	vst v63  }
0x39: {  	_ = 	snop  }
0x3a: {  	[tilespmem:s24], [sflag:$0x1] =	stream.indirect_vreg.gather [hbm4b:s5+s3], $0x80, v3, vm0, $0xb8;
	[tilespmem:$0x8080] =	vst v63  }
0x3b: {  	_ = 	snop  }
0x3c: {  	[tilespmem:s25], [sflag:$0x1] =	stream.indirect_vreg.gather [hbm4b:s6+s3], $0x80, v3, vm0, $0xb8;
	[tilespmem:$0x8080] =	vst v63  }
0x3d: {  	_ = 	snop  }
0x3e: {  	[tilespmem:s26], [sflag:$0x1] =	stream.indirect_vreg.gather [hbm4b:s7+s3], $0x80, v3, vm0, $0xb8;
	[tilespmem:$0x8080] =	vst v63  }
0x3f: {  	_ =	swait.ge [sflag:s28], $0x8000  }
0x40: {  	p0 =	sne.s32 s9, $0x1;
	[sflag:s28] =	ssyncset.done $0x0  }
.Ltmp0:
0x41: {  	[sflag:s28] =	ssyncadd.s32 $0xFFFF8000;
	(pc) =	sbr.rel @p0 .LBB2_1-.Ltmp0, $4  }
0x42: {  	[hbm4b:s8+s3] =	stream.linear.scatter [tilespmem:s11], [sflag:$0x2], $0x8000, $0x38;
	[tilespmem:$0x8080] =	vst v63  }
0x43: {  	_ =	swait.ge [sflag:s10], $0x8000  }
0x44: {  	[sflag:s10] =	ssyncset.done $0x0  }
0x45: {  	s9 =	sadd.s32 $0xFFFFFFFF, s9;
	[sflag:s10] =	ssyncadd.s32 $0xFFFF8000  }
0x46: {  	_ =	sfence.sel $0x180000  }
0x47: {  	[bflag:$0x0] =	sbarrier.arrive $0xFFFF  }
0x48: {  	p0 =	sne.s32 s2, $0x0;
	_ =	strace $0x90000047  }
0x49: {  	s0 =	sadd.s32 @!p0 $0x100000, s0;
	[bflag:$0x2] =	sbarrier.arrive $0xFFFF  }
0x4a: {  	[sflag:s0] =	ssyncadd.tile.s32 @!p0 $0x1;
	_ =	shalt  }
.Lfunc_end2:
_tile_overlayer_lowered:
.L_overlay_start_2:
0x4b: {  	(tag) =	ssettag $0x2  }
0x4c: {  	s0 =	rddreg [dreg:$0x0];
	s2 =	stileid.u32  }
0x4d: {  	s1 =	rddreg [dreg:$0x1];
	p0 =	sne.s32 s2, $0x0  }
0x4e: {  	s3 =	rddreg [dreg:$0x2];
	[bflag:$0x3] =	sbarrier.arrive $0xFFFF;
	s2 =	simm.s32 @!p0 $0x1C02  }
0x4f: {  	[timem:s3], [sflag:s2] =	dma.local @!p0 [hbm:s0], s1  }
0x50: {  	s0 =	simm.s32 @!p0 $0x2  }
0x51: {  	_ =	swait.ge @!p0 [sflag:s0], s1  }
0x52: {  	s1 =	ssub.s32 @!p0 $0x0, s1;
	[sflag:s0] =	ssyncset.done @!p0 $0x0  }
0x53: {  	[sflag:s0] =	ssyncadd.s32 @!p0 s1  }
0x54: {  	[bflag:$0x3] =	sbarrier.arrive $0xFFFF  }
0x55: {  	_ =	shalt  }

// kernel: kernel.9.cloned.1.call-start
scs
__scs_entry_jumppad:
0x0: {  	(pc) =	sbr.rel $0x88, $3  }
0x1: {  	(tag) =	ssettag $0x0;
	lr =	simm.s32 $0x1  }
0x2: {  	[smem:$0x3F93] =	sst lr;
	_ =	strace $0xD0000000  }
0x3: {  	_ = 	snop  }
0x4: {  	_ = 	snop  }
0x5: {  	_ = 	snop  }
0x6: {  	_ = 	snop  }
0x7: {  	_ = 	snop  }
__scs_overlays_trampoline_lowered:
0x8: {  	[smem:$0x3FA2] =	sst s0  }
0x9: {  	[smem:$0x3FA3] =	sst s1  }
0xa: {  	[smem:$0x3FA4] =	sst s2  }
0xb: {  	[smem:$0x3FA5] =	sst s3  }
0xc: {  	[smem:$0x3FA6] =	sst s4  }
0xd: {  	[smem:$0x3FA7] =	sst s5  }
0xe: {  	[smem:$0x3FA8] =	sst s6  }
0xf: {  	[smem:$0x3FA9] =	sst s7  }
0x10: {  	[smem:$0x3FAA] =	sst s8  }
0x11: {  	[smem:$0x3FAB] =	sst s9;
	s0 =	simm.s32 @!p0 $0x0  }
0x12: {  	s1 =	sld [smem:$0x3F91];
	s0 =	simm.s32 @p0 $0x1  }
0x13: {  	[smem:$0x3FAC] =	sst s0;
	s0 =	simm.s32 @!p1 $0x0  }
0x14: {  	s2 =	sld [smem:$0x3F90];
	s0 =	simm.s32 @p1 $0x1  }
0x15: {  	[smem:$0x3FAD] =	sst s0;
	s0 =	simm.s32 @!p2 $0x0  }
0x16: {  	s3 =	sld [smem:$0x3FDB];
	s0 =	simm.s32 @p2 $0x1  }
0x17: {  	s4 =	simm.s32 $0x1BF5;
	[smem:$0x3FAF] =	sst s0  }
0x18: {  	s0 =	sld [smem:$0x3F92];
	_ =	swait.ge [sflag:s4], $0x0  }
0x19: {  	s7 =	sld [smem:$0x3F93]  }
0x1a: {  	s8 =	sadd.s32 $0xFFFFE003, lr  }
0x1b: {  	s9 =	sadd.s32 $0xFFFFFEF7, lr;
	s5 =	simm.s32 $0xFFFFFFFF;
	p2 =	slt.u32 s8, $0xFFFFF086  }
0x1c: {  	p1 =	slt.u32 s9, $0xF7A;
	s5 =	simm.s32 @!p2 $0x0  }
0x1d: {  	s5 =	simm.s32 @p1 $0x1;
	p0 =	seq.s32 s7, s2  }
0x1e: {  	s7 =	smul.u32 @!p0 $0xF7A, s2;
	p2 =	seq.s32 @!p0 s5, $0x0  }
0x1f: {  	s9 =	smul.u32 $0xF7A, s1;
	s8 =	simm.s32 @!p0 $0x1BF5;
	p2 =	por !p2, p0  }
0x20: {  	[sflag:s8] =	ssyncset.s32 @!p0 $0xFFFFF086;
	s6 =	sadd.s32 @!p0 s3, s7;
	s7 =	simm.s32 @!p0 $0x108  }
0x21: {  	s3 =	sadd.s32 s3, s9;
	s6 =	sadd.s32 @!p0 $0x88, s6;
	s7 =	simm.s32 @p2 $0x1082  }
0x22: {  	[simem:s7], [sflag:s8] =	dma.local @!p0 [hbm:s6], $0xF7A  }
0x23: {  	s9 =	sor.u32 $0xD0000000, s2;
	s6 =	simm.s32 $0x108;
	_ =	swait.ge @!p0 [sflag:s8], $0x0  }
0x24: {  	s3 =	sadd.s32 $0x88, s3;
	s6 =	simm.s32 @!p1 $0x1082;
	[sflag:s4] =	ssyncset.s32 $0xFFFFF086  }
0x25: {  	[simem:s6], [sflag:s4] =	dma.local [hbm:s3], $0xF7A  }
0x26: {  	[smem:$0x3F93] =	sst s1;
	(tag) =	ssettag s2;
	_ =	strace s9  }
0x27: {  	s1 =	sld [smem:$0x3FA3]  }
0x28: {  	s2 =	sld [smem:$0x3FA4]  }
0x29: {  	s4 =	sld [smem:$0x3FA6]  }
0x2a: {  	p0 =	seq.s32 s5, $0x0;
	s5 =	sld [smem:$0x3FA7]  }
0x2b: {  	s6 =	sld [smem:$0x3FA8]  }
0x2c: {  	s7 =	sld [smem:$0x3FA9]  }
0x2d: {  	s3 =	simm.s32 $0x108;
	s8 =	sld [smem:$0x3FAA]  }
0x2e: {  	s3 =	simm.s32 @!p0 $0x1082;
	s9 =	sld [smem:$0x3FAB]  }
0x2f: {  	lr =	sadd.s32 s0, s3;
	s0 =	sld [smem:$0x3FA2]  }
0x30: {  	s3 =	sld [smem:$0x3FA5]  }
0x31: {  	[smem:$0x3FAE] =	sst s10  }
0x32: {  	s10 =	sld [smem:$0x3FAC];
	_ =	sdelay $0x3  }
0x33: {  	p0 =	seq.s32 s10, $0x1;
	s10 =	sld [smem:$0x3FAE];
	_ =	sdelay $0x3  }
0x34: {  	[smem:$0x3FAE] =	sst s10  }
0x35: {  	s10 =	sld [smem:$0x3FAD];
	_ =	sdelay $0x3  }
0x36: {  	p1 =	seq.s32 s10, $0x1;
	s10 =	sld [smem:$0x3FAE];
	_ =	sdelay $0x3  }
0x37: {  	[smem:$0x3FAE] =	sst s10  }
0x38: {  	s10 =	sld [smem:$0x3FAF]  }
0x39: {  	_ = 	snop;
	(pc) =	sbr.ind lr, $3  }
0x3a: {  	_ = 	snop  }
0x3b: {  	_ = 	snop  }
0x3c: {  	p2 =	seq.s32 s10, $0x1;
	s10 =	sld [smem:$0x3FAE]  }
0x3d: {  	_ =	shalt  }
0x3e: {  	_ =	shalt  }
0x3f: {  	_ =	shalt  }
0x40: {  	_ =	shalt  }
0x41: {  	_ =	shalt  }
0x42: {  	_ =	shalt  }
0x43: {  	_ =	shalt  }
0x44: {  	_ =	shalt  }
0x45: {  	_ =	shalt  }
0x46: {  	_ =	shalt  }
0x47: {  	_ =	shalt  }
0x48: {  	_ =	shalt  }
0x49: {  	_ =	shalt  }
0x4a: {  	_ =	shalt  }
0x4b: {  	_ =	shalt  }
0x4c: {  	_ =	shalt  }
0x4d: {  	_ =	shalt  }
0x4e: {  	_ =	shalt  }
0x4f: {  	_ =	shalt  }
0x50: {  	_ =	shalt  }
0x51: {  	_ =	shalt  }
0x52: {  	_ =	shalt  }
0x53: {  	_ =	shalt  }
0x54: {  	_ =	shalt  }
0x55: {  	_ =	shalt  }
0x56: {  	_ =	shalt  }
0x57: {  	_ =	shalt  }
0x58: {  	_ =	shalt  }
0x59: {  	_ =	shalt  }
0x5a: {  	_ =	shalt  }
0x5b: {  	_ =	shalt  }
0x5c: {  	_ =	shalt  }
0x5d: {  	_ =	shalt  }
0x5e: {  	_ =	shalt  }
0x5f: {  	_ =	shalt  }
0x60: {  	_ =	shalt  }
0x61: {  	_ =	shalt  }
0x62: {  	_ =	shalt  }
0x63: {  	_ =	shalt  }
0x64: {  	_ =	shalt  }
0x65: {  	_ =	shalt  }
0x66: {  	_ =	shalt  }
0x67: {  	_ =	shalt  }
0x68: {  	_ =	shalt  }
0x69: {  	_ =	shalt  }
0x6a: {  	_ =	shalt  }
0x6b: {  	_ =	shalt  }
0x6c: {  	_ =	shalt  }
0x6d: {  	_ =	shalt  }
0x6e: {  	_ =	shalt  }
0x6f: {  	_ =	shalt  }
0x70: {  	_ =	shalt  }
0x71: {  	_ =	shalt  }
0x72: {  	_ =	shalt  }
0x73: {  	_ =	shalt  }
0x74: {  	_ =	shalt  }
0x75: {  	_ =	shalt  }
0x76: {  	_ =	shalt  }
0x77: {  	_ =	shalt  }
0x78: {  	_ =	shalt  }
0x79: {  	_ =	shalt  }
0x7a: {  	_ =	shalt  }
0x7b: {  	_ =	shalt  }
0x7c: {  	_ =	shalt  }
0x7d: {  	_ =	shalt  }
0x7e: {  	_ =	shalt  }
0x7f: {  	_ =	shalt  }
0x80: {  	_ =	shalt  }
0x81: {  	_ =	shalt  }
0x82: {  	_ =	shalt  }
0x83: {  	_ =	shalt  }
0x84: {  	_ =	shalt  }
0x85: {  	_ =	shalt  }
0x86: {  	_ =	shalt  }
0x87: {  	_ =	shalt  }
.Lfunc_end0:
.L_simem_size_0:
called_computation.1_lowered:
.L_overlay_start_0:
0x88: {  	s2 =	sld [smem:$0x3FD9]  }
0x89: {  	s3 =	sld [smem:$0x3FFE];
	_ =	sdelay $0x1  }
0x8a: {  	s1 =	srdreg.scid  }
0x8b: {  	s0 =	sand.u32 $0x1, s1  }
0x8c: {  	s17 =	sshll.u32 s0, $0xA;
	s2 =	sadd.s32 s3, s2  }
0x8d: {  	s2 =	sadd.s32 s2, s17  }
0x8e: {  	[smem:$0x3FBA] =	sst s2  }
0x8f: {  	_ = 	snop  }
0x90: {  	s18 =	sld [smem:$0x3FC3]  }
0x91: {  	s4 =	sld [smem:$0x3FD0];
	(tm) =	ssettm $0x1  }
0x92: {  	s19 =	sld [smem:$0x3FFB];
	_ =	sdelay $0x3  }
0x93: {  	_ =	strace s19  }
0x94: {  	s2 =	sld [smem:$0x3FFC];
	_ =	sdelay $0x3  }
0x95: {  	_ =	strace s2  }
0x96: {  	s2 =	sld [smem:$0x3FFD];
	_ =	sdelay $0x3  }
0x97: {  	_ =	strace s2  }
0x98: {  	_ =	strace $0x8FFFFFFF  }
0x99: {  	s20 =	sld [smem:$0x3FDB];
	_ =	sdelay $0x1  }
0x9a: {  	s5 =	simm.s32 $_scs_section_size  }
0x9b: {  	s6 =	simm.s32 $_size__tile_overlayer_lowered;
	s7 =	simm.s32 $_tile_overlayer_lowered  }
0x9c: {  	s8 =	simm.s32 $0x1BFF;
	s21 =	sshll.u32 s7, $0x1;
	s5 =	sadd.s32 s5, s20  }
0x9d: {  	s22 =	simm.s32 $0x0;
	s6 =	sshll.u32 s6, $0x1;
	s7 =	sadd.s32 s21, s5  }
0x9e: {  	[timem:s22], [sflag:s8] =	dma.local [hbm:s7], s6  }
0x9f: {  	_ =	swait.ge [sflag:s8], s6  }
0xa0: {  	s6 =	ssub.s32 $0x0, s6;
	[sflag:s8] =	ssyncset.done $0x0  }
0xa1: {  	[sflag:s8] =	ssyncadd.s32 s6;
	_ =	sdelay $0x1  }
0xa2: {  	s23 =	simm.s32 $0x1B8B  }
0xa3: {  	_ =	swait.ge [sflag:s23], $0x1  }
0xa4: {  	[sflag:s23] =	ssyncset.done $0x0  }
0xa5: {  	[sflag:s23] =	ssyncadd.s32 $0xFFFFFFFF  }
0xa6: {  	s6 =	sld [smem:$0x0]  }
0xa7: {  	s7 =	sand.u32 $0xFFFFFFFE, s1  }
0xa8: {  	p0 =	sne.s32 s1, s7  }
0xa9: {  	s7 =	sshll.u32 @p0 s7, $0xE  }
0xaa: {  	s7 =	sadd.s32 @p0 $0x11B8D, s7;
	s8 =	sshll.u32 @p0 s6, $0x11  }
0xab: {  	s7 =	sor.u32 @p0 s8, s7  }
0xac: {  	[sflag:s7] =	ssyncadd.remote.s32 @p0 $0x1;
	_ =	sdelay $0x1  }
0xad: {  	s7 =	simm.s32 @p0 $0x1B8D  }
0xae: {  	_ =	swait.eq @p0 [sflag:s7], $0x1  }
0xaf: {  	[sflag:s7] =	ssyncadd.s32 @p0 $0xFFFFFFFF  }
0xb0: {  	s8 =	sshll.u32 @!p0 s1, $0xE  }
0xb1: {  	s8 =	sor.u32 @!p0 $0x4000, s8;
	s7 =	simm.s32 @!p0 $0x1B8D  }
0xb2: {  	s6 =	sshll.u32 @!p0 s6, $0x11;
	s8 =	sadd.s32 @!p0 $0x11B8D, s8;
	_ =	swait.eq @!p0 [sflag:s7], $0x1  }
0xb3: {  	s6 =	sor.u32 @!p0 s6, s8;
	[sflag:s7] =	ssyncadd.s32 @!p0 $0xFFFFFFFF  }
0xb4: {  	s25 =	simm.s32 $0x1B8E;
	s24 =	sld [smem:$0x3FFE];
	[sflag:s6] =	ssyncadd.remote.s32 @!p0 $0x1  }
0xb5: {  	s26 =	simm.s32 $execute0_lowered;
	[smem:$0x3FD2] =	sst s25  }
0xb6: {  	s7 =	sshll.u32 s26, $0x1;
	_ =	strace $0x80000049;
	[dreg:$0x1] =	wrdreg $0xFFFFFFFF  }
0xb7: {  	s28 =	simm.s32 $_size_execute0_lowered;
	s5 =	sadd.s32 s5, s7;
	[dreg:$0x0] =	wrdreg $0x0  }
0xb8: {  	s7 =	sshll.u32 s28, $0x1;
	[dreg:$0x2] =	wrdreg s5  }
0xb9: {  	[dreg:$0x3] =	wrdreg s7  }
0xba: {  	[dreg:$0x4] =	wrdreg $0xC0  }
0xbb: {  	_ =	task [dreg:s22], $0x5FFFF  }
0xbc: {  	[dreg:$0x1] =	wrdreg $0xFFFFFFFF  }
0xbd: {  	[dreg:$0x0] =	wrdreg $0x60  }
0xbe: {  	[dreg:$0x2] =	wrdreg s4  }
0xbf: {  	[dreg:$0x3] =	wrdreg s24  }
0xc0: {  	[dreg:$0x4] =	wrdreg s18  }
0xc1: {  	[dreg:$0x5] =	wrdreg $0xA  }
0xc2: {  	_ =	task.clear_ibuf [dreg:s22], $0x6FFFF;
	_ =	strace $0x90000049  }
0xc3: {  	s29 =	simm.s32 $0xA;
	_ =	strace $0x8000004B  }
0xc4: {  	_ =	swait.ge [sflag:s29], $0x1  }
0xc5: {  	[sflag:s29] =	ssyncadd.s32 $0xFFFFFFFF  }
0xc6: {  	_ =	strace $0x9000004B  }
0xc7: {  	_ =	sfence  }
0xc8: {  	s30 =	sld [smem:$0x0];
	_ =	sdelay $0x2  }
0xc9: {  	s31 =	sshll.u32 s1, $0xD;
	s1 =	sshrl.u32 s1, $0x2  }
0xca: {  	s4 =	sand.u32 $0x4000, s31;
	s1 =	sadd.s32 s1, s30  }
0xcb: {  	s0 =	sor.u32 s4, s0;
	s1 =	sshll.u32 s1, $0x11  }
0xcc: {  	s0 =	sor.u32 s1, s0  }
0xcd: {  	s0 =	sadd.s32 $0x8F2B, s0  }
0xce: {  	[sflag:s0] =	ssyncadd.remote.s32 $0x1  }
0xcf: {  	_ =	sfence.sel $0xFFFF  }
0xd0: {  	[dreg:$0x0] =	wrdreg $0xFFFFFFFF;
	(pc) =	sbr.abs _section_cstart, $3  }
0xd1: {  	[dreg:$0x1] =	wrdreg $0xFFFFFFFF  }
0xd2: {  	_ =	task.clear_ibuf [dreg:s22], $0x2FFFF;
	_ =	strace $0x9FFFFFFF  }
0xd3: {  	(tm) =	ssettm $0x7FFFFFFF  }
tec
execute0_lowered:
.L_overlay_start_1:
0x0: {  	(tag) =	ssettag $0x1  }
0x1: {  	s1 =	rddreg [dreg:$0x0]  }
0x2: {  	s2 =	srdreg.scid;
	s0 =	stileid.u32  }
0x3: {  	s26 =	rddreg [dreg:$0x1];
	s24 =	sand.u32 $0x1, s2;
	s29 =	sshll.u32 s0, $0x1  }
0x4: {  	s3 =	rddreg [dreg:$0x2];
	s28 =	sor.u32 s24, s29  }
0x5: {  	s4 =	simm.s32 $0x0;
	s2 =	rddreg [dreg:$0x3];
	s5 =	sshll.u32 s28, $0x2  }
0x6: {  	[smem:$0x7FF] =	sst s4;
	s25 =	sadd.s32 s5, s26  }
0x7: {  	_ =	strace $0x8000004A;
	s5 =	simm.s32 $0x2;
	s6 =	sadd.s32 $0x2C00, s25  }
0x8: {  	[tilespmem:s4], [sflag:$0x2] =	stream.linear.gather [hbm4b:s6+s4], $0x20, $0x38;
	[tilespmem:$0x10500] =	vst v63  }
0x9: {  	s7 =	sshll.u32 s28, $0x6;
	_ =	swait.ge [sflag:s5], $0x20  }
0xa: {  	s7 =	sadd.s32 s7, s26;
	[sflag:s5] =	ssyncset.done $0x0  }
0xb: {  	s8 =	simm.s32 $0x80;
	s7 =	sadd.s32 $0x23200, s7;
	[sflag:s5] =	ssyncadd.s32 $0xFFFFFFE0  }
0xc: {  	[tilespmem:s8], [sflag:$0x2] =	stream.linear.gather [hbm4b:s7+s4], $0x200, $0x38;
	[tilespmem:$0x10500] =	vst v63  }
0xd: {  	_ =	swait.ge [sflag:s5], $0x200  }
0xe: {  	s10 =	simm.s32 $0x20;
	[sflag:s5] =	ssyncset.done $0x0  }
0xf: {  	s11 =	simm.s32 $0x480;
	s9 =	sadd.s32 $0x22E00, s26;
	[sflag:s5] =	ssyncadd.s32 $0xFFFFFE00  }
0x10: {  	[tilespmem:s11], [sflag:$0x1] =	stream.indirect.gather [hbm4b:s9+s10], $0x1, s4, s10, $0xb8;
	[tilespmem:$0x10500] =	vst v63  }
0x11: {  	s12 =	simm.s32 $0x280  }
0x12: {  	[tilespmem:s12], [sflag:$0x1] =	stream.indirect.gather [hbm4b:s1+s8], $0x1, s8, s8, $0xb8;
	[tilespmem:$0x10500] =	vst v63  }
0x13: {  	s13 =	simm.s32 $0x100;
	s14 =	simm.s32 $0x300  }
0x14: {  	[tilespmem:s14], [sflag:$0x1] =	stream.indirect.gather [hbm4b:s1+s8], $0x1, s13, s8, $0xb8;
	[tilespmem:$0x10500] =	vst v63  }
0x15: {  	s15 =	simm.s32 $0x180;
	s16 =	simm.s32 $0x380  }
0x16: {  	[tilespmem:s16], [sflag:$0x1] =	stream.indirect.gather [hbm4b:s1+s8], $0x1, s15, s8, $0xb8;
	[tilespmem:$0x10500] =	vst v63  }
0x17: {  	s17 =	simm.s32 $0x200;
	s18 =	simm.s32 $0x400;
	s19 =	simm.s32 $0x1  }
0x18: {  	[tilespmem:s18], [sflag:$0x1] =	stream.indirect.gather [hbm4b:s1+s8], $0x1, s17, s8, $0xb8;
	[tilespmem:$0x10500] =	vst v63  }
0x19: {  	_ =	swait.ge [sflag:s19], $0x20  }
0x1a: {  	[sflag:s19] =	ssyncset.done $0x0  }
0x1b: {  	[sflag:s19] =	ssyncadd.s32 $0xFFFFFFE0  }
0x1c: {  	_ =	swait.ge [sflag:s19], $0x80  }
0x1d: {  	[sflag:s19] =	ssyncset.done $0x0  }
0x1e: {  	[sflag:s19] =	ssyncadd.s32 $0xFFFFFF80  }
0x1f: {  	_ =	swait.ge [sflag:s19], $0x80  }
0x20: {  	[sflag:s19] =	ssyncset.done $0x0  }
0x21: {  	[sflag:s19] =	ssyncadd.s32 $0xFFFFFF80  }
0x22: {  	_ =	swait.ge [sflag:s19], $0x80  }
0x23: {  	[sflag:s19] =	ssyncset.done $0x0  }
0x24: {  	[sflag:s19] =	ssyncadd.s32 $0xFFFFFF80  }
0x25: {  	_ =	swait.ge [sflag:s19], $0x80  }
0x26: {  	[sflag:s19] =	ssyncset.done $0x0  }
0x27: {  	s20 =	simm.s32 $0x500;
	[sflag:s19] =	ssyncadd.s32 $0xFFFFFF80  }
0x28: {  	[tilespmem:s20], [sflag:$0x1] =	stream.indirect.gather [hbm4b:s3+s8], $0x80, s12, s8, $0xb8;
	[tilespmem:$0x10500] =	vst v63  }
0x29: {  	s21 =	simm.s32 $0x4500  }
0x2a: {  	[tilespmem:s21], [sflag:$0x1] =	stream.indirect.gather [hbm4b:s3+s8], $0x80, s14, s8, $0xb8;
	[tilespmem:$0x10500] =	vst v63  }
0x2b: {  	s22 =	simm.s32 $0x8500  }
0x2c: {  	[tilespmem:s22], [sflag:$0x1] =	stream.indirect.gather [hbm4b:s3+s8], $0x80, s16, s8, $0xb8;
	[tilespmem:$0x10500] =	vst v63  }
0x2d: {  	s23 =	simm.s32 $0xC500  }
0x2e: {  	[tilespmem:s23], [sflag:$0x1] =	stream.indirect.gather [hbm4b:s3+s8], $0x80, s18, s8, $0xb8;
	[tilespmem:$0x10500] =	vst v63  }
0x2f: {  	_ =	swait.ge [sflag:s19], $0x4000  }
0x30: {  	[sflag:s19] =	ssyncset.done $0x0  }
0x31: {  	[sflag:s19] =	ssyncadd.s32 $0xFFFFC000  }
0x32: {  	_ =	swait.ge [sflag:s19], $0x4000  }
0x33: {  	[sflag:s19] =	ssyncset.done $0x0  }
0x34: {  	[sflag:s19] =	ssyncadd.s32 $0xFFFFC000  }
0x35: {  	_ =	swait.ge [sflag:s19], $0x4000  }
0x36: {  	[sflag:s19] =	ssyncset.done $0x0  }
0x37: {  	s30 =	ssub.s32 $0x2, s24;
	s28 =	sshll.u32 s28, $0xD;
	[sflag:s19] =	ssyncadd.s32 $0xFFFFC000  }
0x38: {  	s31 =	sshrl.u32 s30, $0x1;
	s26 =	sadd.s32 s28, s26;
	_ =	swait.ge [sflag:s19], $0x4000  }
0x39: {  	s24 =	sadd.s32 $0x23A00, s26;
	s26 =	ssub.s32 s30, s31;
	[sflag:s19] =	ssyncset.done $0x0  }
0x3a: {  	s26 =	smax.u32 s26, $0x1;
	[sflag:s19] =	ssyncadd.s32 $0xFFFFC000  }
0x3b: {  	[hbm4b:s24+s4] =	stream.linear.scatter [tilespmem:s20], [sflag:$0x2], $0x10000, $0x38;
	[tilespmem:$0x10500] =	vst v63  }
0x3c: {  	p0 =	sne.s32 s26, $0x1;
	_ =	swait.ge [sflag:s5], $0x10000  }
.Ltmp0:
0x3d: {  	[sflag:s5] =	ssyncset.done $0x0;
	(pc) =	sbr.rel @!p0 .LBB2_2-.Ltmp0, $4  }
0x3e: {  	s25 =	sadd.s32 $0x63A00, s25;
	[sflag:s5] =	ssyncadd.s32 $0xFFFF0000  }
0x3f: {  	[hbm4b:s25+s4] =	stream.linear.scatter [tilespmem:s11], [sflag:$0x2], $0x20, $0x38;
	[tilespmem:$0x10500] =	vst v63  }
0x40: {  	_ =	swait.ge [sflag:s5], $0x20  }
0x41: {  	s26 =	sadd.s32 $0xFFFFFFFF, s26;
	[sflag:s5] =	ssyncset.done $0x0  }
.LBB2_1:
0x42: {  	p0 =	sne.s32 s26, $0x1;
	s26 =	sadd.s32 $0xFFFFFFFF, s26;
	[sflag:s5] =	ssyncadd.s32 $0xFFFFFFE0  }
0x43: {  	[tilespmem:s4], [sflag:$0x2] =	stream.linear.gather [hbm4b:s6+s4], $0x20, $0x38;
	[tilespmem:$0x10500] =	vst v63  }
0x44: {  	_ =	swait.ge [sflag:s5], $0x20  }
0x45: {  	[sflag:s5] =	ssyncset.done $0x0  }
0x46: {  	[sflag:s5] =	ssyncadd.s32 $0xFFFFFFE0  }
0x47: {  	[tilespmem:s8], [sflag:$0x2] =	stream.linear.gather [hbm4b:s7+s4], $0x200, $0x38;
	[tilespmem:$0x10500] =	vst v63  }
0x48: {  	_ =	swait.ge [sflag:s5], $0x200  }
0x49: {  	[sflag:s5] =	ssyncset.done $0x0  }
0x4a: {  	[sflag:s5] =	ssyncadd.s32 $0xFFFFFE00  }
0x4b: {  	[tilespmem:s11], [sflag:$0x1] =	stream.indirect.gather [hbm4b:s9+s10], $0x1, s4, s10, $0xb8;
	[tilespmem:$0x10500] =	vst v63  }
0x4c: {  	_ = 	snop  }
0x4d: {  	[tilespmem:s12], [sflag:$0x1] =	stream.indirect.gather [hbm4b:s1+s8], $0x1, s8, s8, $0xb8;
	[tilespmem:$0x10500] =	vst v63  }
0x4e: {  	_ = 	snop  }
0x4f: {  	[tilespmem:s14], [sflag:$0x1] =	stream.indirect.gather [hbm4b:s1+s8], $0x1, s13, s8, $0xb8;
	[tilespmem:$0x10500] =	vst v63  }
0x50: {  	_ = 	snop  }
0x51: {  	[tilespmem:s16], [sflag:$0x1] =	stream.indirect.gather [hbm4b:s1+s8], $0x1, s15, s8, $0xb8;
	[tilespmem:$0x10500] =	vst v63  }
0x52: {  	_ = 	snop  }
0x53: {  	[tilespmem:s18], [sflag:$0x1] =	stream.indirect.gather [hbm4b:s1+s8], $0x1, s17, s8, $0xb8;
	[tilespmem:$0x10500] =	vst v63  }
0x54: {  	_ =	swait.ge [sflag:s19], $0x20  }
0x55: {  	[sflag:s19] =	ssyncset.done $0x0  }
0x56: {  	[sflag:s19] =	ssyncadd.s32 $0xFFFFFFE0  }
0x57: {  	_ =	swait.ge [sflag:s19], $0x80  }
0x58: {  	[sflag:s19] =	ssyncset.done $0x0  }
0x59: {  	[sflag:s19] =	ssyncadd.s32 $0xFFFFFF80  }
0x5a: {  	_ =	swait.ge [sflag:s19], $0x80  }
0x5b: {  	[sflag:s19] =	ssyncset.done $0x0  }
0x5c: {  	[sflag:s19] =	ssyncadd.s32 $0xFFFFFF80  }
0x5d: {  	_ =	swait.ge [sflag:s19], $0x80  }
0x5e: {  	[sflag:s19] =	ssyncset.done $0x0  }
0x5f: {  	[sflag:s19] =	ssyncadd.s32 $0xFFFFFF80  }
0x60: {  	_ =	swait.ge [sflag:s19], $0x80  }
0x61: {  	[sflag:s19] =	ssyncset.done $0x0  }
0x62: {  	[sflag:s19] =	ssyncadd.s32 $0xFFFFFF80  }
0x63: {  	[tilespmem:s20], [sflag:$0x1] =	stream.indirect.gather [hbm4b:s3+s8], $0x80, s12, s8, $0xb8;
	[tilespmem:$0x10500] =	vst v63  }
0x64: {  	_ = 	snop  }
0x65: {  	[tilespmem:s21], [sflag:$0x1] =	stream.indirect.gather [hbm4b:s3+s8], $0x80, s14, s8, $0xb8;
	[tilespmem:$0x10500] =	vst v63  }
0x66: {  	_ = 	snop  }
0x67: {  	[tilespmem:s22], [sflag:$0x1] =	stream.indirect.gather [hbm4b:s3+s8], $0x80, s16, s8, $0xb8;
	[tilespmem:$0x10500] =	vst v63  }
0x68: {  	_ = 	snop  }
0x69: {  	[tilespmem:s23], [sflag:$0x1] =	stream.indirect.gather [hbm4b:s3+s8], $0x80, s18, s8, $0xb8;
	[tilespmem:$0x10500] =	vst v63  }
0x6a: {  	_ =	swait.ge [sflag:s19], $0x4000  }
0x6b: {  	[sflag:s19] =	ssyncset.done $0x0  }
0x6c: {  	[sflag:s19] =	ssyncadd.s32 $0xFFFFC000  }
0x6d: {  	_ =	swait.ge [sflag:s19], $0x4000  }
0x6e: {  	[sflag:s19] =	ssyncset.done $0x0  }
0x6f: {  	[sflag:s19] =	ssyncadd.s32 $0xFFFFC000  }
0x70: {  	_ =	swait.ge [sflag:s19], $0x4000  }
0x71: {  	[sflag:s19] =	ssyncset.done $0x0  }
0x72: {  	[sflag:s19] =	ssyncadd.s32 $0xFFFFC000  }
0x73: {  	_ =	swait.ge [sflag:s19], $0x4000  }
0x74: {  	[sflag:s19] =	ssyncset.done $0x0  }
0x75: {  	[sflag:s19] =	ssyncadd.s32 $0xFFFFC000  }
0x76: {  	[hbm4b:s24+s4] =	stream.linear.scatter [tilespmem:s20], [sflag:$0x2], $0x10000, $0x38;
	[tilespmem:$0x10500] =	vst v63  }
0x77: {  	_ =	swait.ge [sflag:s5], $0x10000  }
.Ltmp1:
0x78: {  	[sflag:s5] =	ssyncset.done $0x0;
	(pc) =	sbr.rel @p0 .LBB2_1-.Ltmp1, $4  }
0x79: {  	[sflag:s5] =	ssyncadd.s32 $0xFFFF0000  }
0x7a: {  	[hbm4b:s25+s4] =	stream.linear.scatter [tilespmem:s11], [sflag:$0x2], $0x20, $0x38;
	[tilespmem:$0x10500] =	vst v63  }
0x7b: {  	_ =	swait.ge [sflag:s5], $0x20  }
0x7c: {  	[sflag:s5] =	ssyncset.done $0x0  }
.LBB2_2:
0x7d: {  	[sflag:s5] =	ssyncadd.s32 $0xFFFFFFE0  }
0x7e: {  	_ =	sfence.sel $0x180000  }
0x7f: {  	[bflag:$0x0] =	sbarrier.arrive $0xFFFF  }
0x80: {  	p0 =	sne.s32 s0, $0x0;
	_ =	strace $0x9000004A  }
0x81: {  	s0 =	sadd.s32 @!p0 $0x100000, s2;
	[bflag:$0x2] =	sbarrier.arrive $0xFFFF  }
0x82: {  	[sflag:s0] =	ssyncadd.tile.s32 @!p0 $0x1;
	_ =	shalt  }
.Lfunc_end2:
_tile_overlayer_lowered:
.L_overlay_start_2:
0x83: {  	(tag) =	ssettag $0x2  }
0x84: {  	s0 =	rddreg [dreg:$0x0];
	s2 =	stileid.u32  }
0x85: {  	s1 =	rddreg [dreg:$0x1];
	p0 =	sne.s32 s2, $0x0  }
0x86: {  	s3 =	rddreg [dreg:$0x2];
	[bflag:$0x3] =	sbarrier.arrive $0xFFFF;
	s2 =	simm.s32 @!p0 $0x1C02  }
0x87: {  	[timem:s3], [sflag:s2] =	dma.local @!p0 [hbm:s0], s1  }
0x88: {  	s0 =	simm.s32 @!p0 $0x2  }
0x89: {  	_ =	swait.ge @!p0 [sflag:s0], s1  }
0x8a: {  	s1 =	ssub.s32 @!p0 $0x0, s1;
	[sflag:s0] =	ssyncset.done @!p0 $0x0  }
0x8b: {  	[sflag:s0] =	ssyncadd.s32 @!p0 s1  }
0x8c: {  	[bflag:$0x3] =	sbarrier.arrive $0xFFFF  }
0x8d: {  	_ =	shalt  }

</sc_bundles>
